<compile_context>
chip_gen: v7x
topology: tpu7x:2x2x1
jax: 0.10.2.dev20260603
libtpu: 0.0.44.dev20260713+nightly
codegen_flags: <defaults>
</compile_context>

<pallas_src>
import functools

import jax
import jax.numpy as jnp
from jax import lax
from jax.experimental import pallas as pl
from jax.experimental.pallas import tpu as pltpu
from jax.experimental.pallas import tpu_sc as plsc

_NW = 32
_R = 4


@functools.cache
def _build(n_rows: int, n_cols: int, d: int):
    assert n_rows % (_NW * _R) == 0
    rpw = n_rows // _NW
    nchunk = rpw // _R
    assert nchunk >= 4 and nchunk % 2 == 0

    mesh = plsc.VectorSubcoreMesh(core_axis_name="c", subcore_axis_name="s")

    @functools.partial(
        pl.kernel,
        out_type=jax.ShapeDtypeStruct((n_rows, n_cols, 2 * d), jnp.float32),
        mesh=mesh,
        scratch_types=[
            pltpu.VMEM((2, _R, n_cols), jnp.int32),
            pltpu.VMEM((2, _R, n_cols, d), jnp.float32),
            pltpu.SemaphoreType.DMA,
            pltpu.SemaphoreType.DMA,
        ],
        compiler_params=pltpu.CompilerParams(use_tc_tiling_on_sc=False),
    )
    def gather_kernel(idx_hbm, table_hbm, out_hbm, idx_v, rows_v, gsem, wsem):
        wid = lax.axis_index("s") * 2 + lax.axis_index("c")
        base = wid * rpw

        def fire_gather(i, b):
            row0 = base + i * _R
            pltpu.sync_copy(idx_hbm.at[pl.ds(row0, _R)], idx_v.at[b])
            for r in range(_R):
                pltpu.async_copy(
                    table_hbm.at[idx_v.at[b, r]], rows_v.at[b, r], gsem)

        def wait_gather(b):
            pltpu.make_async_copy(
                out_hbm.at[pl.ds(0, _R), :, pl.ds(0, d)],
                rows_v.at[b], gsem).wait()

        def fire_write(i, b):
            row0 = base + i * _R
            pltpu.async_copy(
                rows_v.at[b],
                out_hbm.at[pl.ds(row0, _R), :, pl.ds(0, d)], wsem)

        def wait_write(b):
            pltpu.make_async_copy(
                rows_v.at[b],
                out_hbm.at[pl.ds(0, _R), :, pl.ds(0, d)], wsem).wait()

        fire_gather(0, 0)
        fire_gather(1, 1)
        wait_gather(0)
        fire_write(0, 0)

        def pair_body(k, carry):
            i0 = 1 + 2 * k
            for p in range(2):
                i = i0 + p
                b = (1 + p) % 2
                nb = 1 - b
                wait_write(nb)
                fire_gather(i + 1, nb)
                wait_gather(b)
                fire_write(i, b)
            return carry

        lax.fori_loop(0, (nchunk - 2) // 2, pair_body, 0)

        b_last = (nchunk - 1) % 2
        wait_gather(b_last)
        fire_write(nchunk - 1, b_last)
        wait_write(0)
        wait_write(1)

    return gather_kernel


def kernel(indices, weight):
    n_rows, n_cols = indices.shape
    d = weight.shape[1]
    idx = indices.astype(jnp.int32)
    wide = _build(n_rows, n_cols, d)(idx, weight)
    return wide[:, :, :d]

# --- scband reference (transcript-rebuilt; emitter-appended) ---
"""Pipeline reference for scband-token-embedding-489626272114 (READ-ONLY COPY).

The authoritative reference and input builder live on the scoring server;
editing this copy changes nothing except your own understanding.
"""

import jax, jax.numpy as jnp
import numpy as np

VOCAB = 1000000
D_MODEL = 64
PADDING_IDX = 1


def setup_inputs(seed: int = 0) -> dict:
    key = jax.random.key(seed)
    k_w, k_idx = jax.random.split(key)
    # nn.Embedding default init: N(0,1); padding_idx row zeroed
    weight = jax.random.normal(k_w, (VOCAB, D_MODEL), dtype=jnp.float32)
    weight = weight.at[PADDING_IDX].set(0.0)
    indices = jax.random.randint(k_idx, (4096, 200), 0, VOCAB, dtype=jnp.int64)
    return {"indices": indices, "weight": weight}


def reference(indices, weight):
    # TokenEmbedding.forward == nn.Embedding.forward: pure row gather
    return jnp.take(weight, indices, axis=0)

if __name__ == "__main__":
    import jax
    _d = setup_inputs()
    print(jax.jit(kernel)(*tuple(_d.values())))

</pallas_src>

<mosaic_0001>
#map = affine_map<(d0, d1) -> (0, 0)>
#map1 = affine_map<(d0, d1) -> (0, 0, 0)>
module attributes {stable_mosaic.version = 14 : i64} {
  func.func @gather_kernel(%arg0: i32, %arg1: i32, %arg2: memref<4096x200xi32, #tpu.memory_space<hbm>>, %arg3: memref<1000000x64xf32, #tpu.memory_space<hbm>>, %arg4: memref<4096x200x128xf32, #tpu.memory_space<hbm>>, %arg5: memref<2x4x200xi32, #tpu.memory_space<vmem>>, %arg6: memref<2x4x200x64xf32, #tpu.memory_space<vmem>>, %arg7: memref<!tpu.dma_semaphore, #tpu.memory_space<semaphore_mem>>, %arg8: memref<!tpu.dma_semaphore, #tpu.memory_space<semaphore_mem>>) attributes {dimension_semantics = [#tpu.dimension_semantics<core_parallel>, #tpu.dimension_semantics<subcore_parallel>], iteration_bounds = array<i64: 2, 16>, scalar_prefetch = 0 : i64, scratch_operands = 4 : i64, tpu.core_type = #tpu.core_type<sc_vector_subcore>, window_params = [{transform_indices = #map}, {transform_indices = #map}, {transform_indices = #map1}]} {
    %mul3A = arith.constant 2 : i32
    %mul3A_0 = arith.muli %arg1, %mul3A : i32
    %add3A = arith.addi %mul3A_0, %arg0 : i32
    %mul3A_1 = arith.constant 128 : i32
    %mul3A_2 = arith.muli %add3A, %mul3A_1 : i32
    %add3A_3 = arith.constant 0 : i32
    %add3A_4 = arith.addi %mul3A_2, %add3A_3 : i32
    %run_scoped3A = arith.constant 0 : i32
    "tpu.region"() ({
      %run_scoped3A_237 = tpu.sem_alloc : memref<!tpu.dma_semaphore, #tpu.memory_space<semaphore_mem>>
      %dma_start3A_238 = arith.constant 0 : i32
      %dma_start3A_239 = arith.constant 0 : i32
      %dma_start3A_240 = tpu.memref_slice %arg5[%run_scoped3A, %dma_start3A_238, %dma_start3A_239] : memref<2x4x200xi32, #tpu.memory_space<vmem>> -> memref<1x4x200xi32, #tpu.memory_space<vmem>>
      %dma_start3A_241 = tpu.memref_squeeze %dma_start3A_240 : memref<1x4x200xi32, #tpu.memory_space<vmem>> -> memref<4x200xi32, #tpu.memory_space<vmem>>
      %dma_start3A_242 = arith.constant 0 : i32
      %dma_start3A_243 = tpu.memref_slice %arg2[%add3A_4, %dma_start3A_242] : memref<4096x200xi32, #tpu.memory_space<hbm>> -> memref<4x200xi32, #tpu.memory_space<hbm>>
      %dma_start3A_244 = arith.constant 0 : i32
      %dma_start3A_245 = arith.constant 0 : i32
      %dma_start3A_246 = tpu.memref_slice %arg5[%run_scoped3A, %dma_start3A_244, %dma_start3A_245] : memref<2x4x200xi32, #tpu.memory_space<vmem>> -> memref<1x4x200xi32, #tpu.memory_space<vmem>>
      %dma_start3A_247 = tpu.memref_squeeze %dma_start3A_246 : memref<1x4x200xi32, #tpu.memory_space<vmem>> -> memref<4x200xi32, #tpu.memory_space<vmem>>
      %dma_start3A_248 = arith.constant 0 : i32
      %dma_start3A_249 = tpu.memref_slice %arg2[%add3A_4, %dma_start3A_248] : memref<4096x200xi32, #tpu.memory_space<hbm>> -> memref<4x200xi32, #tpu.memory_space<hbm>>
      tpu.enqueue_dma source(%dma_start3A_249 : memref<4x200xi32, #tpu.memory_space<hbm>>) target(%dma_start3A_247 : memref<4x200xi32, #tpu.memory_space<vmem>>) target_semaphore(%run_scoped3A_237 : memref<!tpu.dma_semaphore, #tpu.memory_space<semaphore_mem>>)
      %dma_wait3A_250 = arith.constant 0 : i32
      %dma_wait3A_251 = arith.constant 0 : i32
      %dma_wait3A_252 = tpu.memref_slice %arg5[%run_scoped3A, %dma_wait3A_250, %dma_wait3A_251] : memref<2x4x200xi32, #tpu.memory_space<vmem>> -> memref<1x4x200xi32, #tpu.memory_space<vmem>>
      %dma_wait3A_253 = tpu.memref_squeeze %dma_wait3A_252 : memref<1x4x200xi32, #tpu.memory_space<vmem>> -> memref<4x200xi32, #tpu.memory_space<vmem>>
      %dma_wait3A_254 = arith.constant 0 : i32
      %dma_wait3A_255 = tpu.memref_slice %arg2[%add3A_4, %dma_wait3A_254] : memref<4096x200xi32, #tpu.memory_space<hbm>> -> memref<4x200xi32, #tpu.memory_space<hbm>>
      %dma_wait3A_256 = arith.constant 0 : i32
      %dma_wait3A_257 = arith.constant 0 : i32
      %dma_wait3A_258 = tpu.memref_slice %arg5[%run_scoped3A, %dma_wait3A_256, %dma_wait3A_257] : memref<2x4x200xi32, #tpu.memory_space<vmem>> -> memref<1x4x200xi32, #tpu.memory_space<vmem>>
      %dma_wait3A_259 = tpu.memref_squeeze %dma_wait3A_258 : memref<1x4x200xi32, #tpu.memory_space<vmem>> -> memref<4x200xi32, #tpu.memory_space<vmem>>
      %dma_wait3A_260 = arith.constant 0 : i32
      %dma_wait3A_261 = tpu.memref_slice %arg2[%add3A_4, %dma_wait3A_260] : memref<4096x200xi32, #tpu.memory_space<hbm>> -> memref<4x200xi32, #tpu.memory_space<hbm>>
      tpu.wait_dma2 semaphore(%run_scoped3A_237 : memref<!tpu.dma_semaphore, #tpu.memory_space<semaphore_mem>>) src(%dma_wait3A_261 : memref<4x200xi32, #tpu.memory_space<hbm>>) dst(%dma_wait3A_259 : memref<4x200xi32, #tpu.memory_space<vmem>>)
      tpu.yield
    }) : () -> ()
    %dma_start3A = arith.constant 0 : i32
    %dma_start3A_5 = arith.constant 0 : i32
    %dma_start3A_6 = arith.constant 0 : i32
    %dma_start3A_7 = arith.constant 0 : i32
    %dma_start3A_8 = arith.constant 0 : i32
    %dma_start3A_9 = arith.constant 0 : i32
    %dma_start3A_10 = tpu.memref_slice %arg6[%dma_start3A_6, %dma_start3A_7, %dma_start3A_8, %dma_start3A_9] : memref<2x4x200x64xf32, #tpu.memory_space<vmem>> -> memref<1x1x200x64xf32, #tpu.memory_space<vmem>>
    %dma_start3A_11 = tpu.memref_squeeze %dma_start3A_10 : memref<1x1x200x64xf32, #tpu.memory_space<vmem>> -> memref<200x64xf32, #tpu.memory_space<vmem>>
    %dma_start3A_12 = arith.constant 0 : i32
    %dma_start3A_13 = tpu.memref_slice %arg5[%dma_start3A, %dma_start3A_5, %dma_start3A_12] : memref<2x4x200xi32, #tpu.memory_space<vmem>> -> memref<1x1x200xi32, #tpu.memory_space<vmem>>
    %dma_start3A_14 = tpu.memref_squeeze %dma_start3A_13 : memref<1x1x200xi32, #tpu.memory_space<vmem>> -> memref<200xi32, #tpu.memory_space<vmem>>
    %dma_start3A_15 = arith.constant 0 : i32
    %dma_start3A_16 = arith.constant 0 : i32
    %dma_start3A_17 = tpu.memref_slice %arg3[%dma_start3A_15, %dma_start3A_16] : memref<1000000x64xf32, #tpu.memory_space<hbm>> -> memref<1000000x64xf32, #tpu.memory_space<hbm>>
    tpu.enqueue_indirect_dma source(%dma_start3A_17 : memref<1000000x64xf32, #tpu.memory_space<hbm>>) target(%dma_start3A_11 : memref<200x64xf32, #tpu.memory_space<vmem>>) offsets(%dma_start3A_14 : memref<200xi32, #tpu.memory_space<vmem>>) semaphore(%arg7 : memref<!tpu.dma_semaphore, #tpu.memory_space<semaphore_mem>>)
    %dma_start3A_18 = arith.constant 0 : i32
    %dma_start3A_19 = arith.constant 1 : i32
    %dma_start3A_20 = arith.constant 0 : i32
    %dma_start3A_21 = arith.constant 1 : i32
    %dma_start3A_22 = arith.constant 0 : i32
    %dma_start3A_23 = arith.constant 0 : i32
    %dma_start3A_24 = tpu.memref_slice %arg6[%dma_start3A_20, %dma_start3A_21, %dma_start3A_22, %dma_start3A_23] : memref<2x4x200x64xf32, #tpu.memory_space<vmem>> -> memref<1x1x200x64xf32, #tpu.memory_space<vmem>>
    %dma_start3A_25 = tpu.memref_squeeze %dma_start3A_24 : memref<1x1x200x64xf32, #tpu.memory_space<vmem>> -> memref<200x64xf32, #tpu.memory_space<vmem>>
    %dma_start3A_26 = arith.constant 0 : i32
    %dma_start3A_27 = tpu.memref_slice %arg5[%dma_start3A_18, %dma_start3A_19, %dma_start3A_26] : memref<2x4x200xi32, #tpu.memory_space<vmem>> -> memref<1x1x200xi32, #tpu.memory_space<vmem>>
    %dma_start3A_28 = tpu.memref_squeeze %dma_start3A_27 : memref<1x1x200xi32, #tpu.memory_space<vmem>> -> memref<200xi32, #tpu.memory_space<vmem>>
    %dma_start3A_29 = arith.constant 0 : i32
    %dma_start3A_30 = arith.constant 0 : i32
    %dma_start3A_31 = tpu.memref_slice %arg3[%dma_start3A_29, %dma_start3A_30] : memref<1000000x64xf32, #tpu.memory_space<hbm>> -> memref<1000000x64xf32, #tpu.memory_space<hbm>>
    tpu.enqueue_indirect_dma source(%dma_start3A_31 : memref<1000000x64xf32, #tpu.memory_space<hbm>>) target(%dma_start3A_25 : memref<200x64xf32, #tpu.memory_space<vmem>>) offsets(%dma_start3A_28 : memref<200xi32, #tpu.memory_space<vmem>>) semaphore(%arg7 : memref<!tpu.dma_semaphore, #tpu.memory_space<semaphore_mem>>)
    %dma_start3A_32 = arith.constant 0 : i32
    %dma_start3A_33 = arith.constant 2 : i32
    %dma_start3A_34 = arith.constant 0 : i32
    %dma_start3A_35 = arith.constant 2 : i32
    %dma_start3A_36 = arith.constant 0 : i32
    %dma_start3A_37 = arith.constant 0 : i32
    %dma_start3A_38 = tpu.memref_slice %arg6[%dma_start3A_34, %dma_start3A_35, %dma_start3A_36, %dma_start3A_37] : memref<2x4x200x64xf32, #tpu.memory_space<vmem>> -> memref<1x1x200x64xf32, #tpu.memory_space<vmem>>
    %dma_start3A_39 = tpu.memref_squeeze %dma_start3A_38 : memref<1x1x200x64xf32, #tpu.memory_space<vmem>> -> memref<200x64xf32, #tpu.memory_space<vmem>>
    %dma_start3A_40 = arith.constant 0 : i32
    %dma_start3A_41 = tpu.memref_slice %arg5[%dma_start3A_32, %dma_start3A_33, %dma_start3A_40] : memref<2x4x200xi32, #tpu.memory_space<vmem>> -> memref<1x1x200xi32, #tpu.memory_space<vmem>>
    %dma_start3A_42 = tpu.memref_squeeze %dma_start3A_41 : memref<1x1x200xi32, #tpu.memory_space<vmem>> -> memref<200xi32, #tpu.memory_space<vmem>>
    %dma_start3A_43 = arith.constant 0 : i32
    %dma_start3A_44 = arith.constant 0 : i32
    %dma_start3A_45 = tpu.memref_slice %arg3[%dma_start3A_43, %dma_start3A_44] : memref<1000000x64xf32, #tpu.memory_space<hbm>> -> memref<1000000x64xf32, #tpu.memory_space<hbm>>
    tpu.enqueue_indirect_dma source(%dma_start3A_45 : memref<1000000x64xf32, #tpu.memory_space<hbm>>) target(%dma_start3A_39 : memref<200x64xf32, #tpu.memory_space<vmem>>) offsets(%dma_start3A_42 : memref<200xi32, #tpu.memory_space<vmem>>) semaphore(%arg7 : memref<!tpu.dma_semaphore, #tpu.memory_space<semaphore_mem>>)
    %dma_start3A_46 = arith.constant 0 : i32
    %dma_start3A_47 = arith.constant 3 : i32
    %dma_start3A_48 = arith.constant 0 : i32
    %dma_start3A_49 = arith.constant 3 : i32
    %dma_start3A_50 = arith.constant 0 : i32
    %dma_start3A_51 = arith.constant 0 : i32
    %dma_start3A_52 = tpu.memref_slice %arg6[%dma_start3A_48, %dma_start3A_49, %dma_start3A_50, %dma_start3A_51] : memref<2x4x200x64xf32, #tpu.memory_space<vmem>> -> memref<1x1x200x64xf32, #tpu.memory_space<vmem>>
    %dma_start3A_53 = tpu.memref_squeeze %dma_start3A_52 : memref<1x1x200x64xf32, #tpu.memory_space<vmem>> -> memref<200x64xf32, #tpu.memory_space<vmem>>
    %dma_start3A_54 = arith.constant 0 : i32
    %dma_start3A_55 = tpu.memref_slice %arg5[%dma_start3A_46, %dma_start3A_47, %dma_start3A_54] : memref<2x4x200xi32, #tpu.memory_space<vmem>> -> memref<1x1x200xi32, #tpu.memory_space<vmem>>
    %dma_start3A_56 = tpu.memref_squeeze %dma_start3A_55 : memref<1x1x200xi32, #tpu.memory_space<vmem>> -> memref<200xi32, #tpu.memory_space<vmem>>
    %dma_start3A_57 = arith.constant 0 : i32
    %dma_start3A_58 = arith.constant 0 : i32
    %dma_start3A_59 = tpu.memref_slice %arg3[%dma_start3A_57, %dma_start3A_58] : memref<1000000x64xf32, #tpu.memory_space<hbm>> -> memref<1000000x64xf32, #tpu.memory_space<hbm>>
    tpu.enqueue_indirect_dma source(%dma_start3A_59 : memref<1000000x64xf32, #tpu.memory_space<hbm>>) target(%dma_start3A_53 : memref<200x64xf32, #tpu.memory_space<vmem>>) offsets(%dma_start3A_56 : memref<200xi32, #tpu.memory_space<vmem>>) semaphore(%arg7 : memref<!tpu.dma_semaphore, #tpu.memory_space<semaphore_mem>>)
    %add3A_60 = arith.constant 4 : i32
    %add3A_61 = arith.addi %mul3A_2, %add3A_60 : i32
    %run_scoped3A_62 = arith.constant 1 : i32
    "tpu.region"() ({
      %run_scoped3A_237 = tpu.sem_alloc : memref<!tpu.dma_semaphore, #tpu.memory_space<semaphore_mem>>
      %dma_start3A_238 = arith.constant 0 : i32
      %dma_start3A_239 = arith.constant 0 : i32
      %dma_start3A_240 = tpu.memref_slice %arg5[%run_scoped3A_62, %dma_start3A_238, %dma_start3A_239] : memref<2x4x200xi32, #tpu.memory_space<vmem>> -> memref<1x4x200xi32, #tpu.memory_space<vmem>>
      %dma_start3A_241 = tpu.memref_squeeze %dma_start3A_240 : memref<1x4x200xi32, #tpu.memory_space<vmem>> -> memref<4x200xi32, #tpu.memory_space<vmem>>
      %dma_start3A_242 = arith.constant 0 : i32
      %dma_start3A_243 = tpu.memref_slice %arg2[%add3A_61, %dma_start3A_242] : memref<4096x200xi32, #tpu.memory_space<hbm>> -> memref<4x200xi32, #tpu.memory_space<hbm>>
      %dma_start3A_244 = arith.constant 0 : i32
      %dma_start3A_245 = arith.constant 0 : i32
      %dma_start3A_246 = tpu.memref_slice %arg5[%run_scoped3A_62, %dma_start3A_244, %dma_start3A_245] : memref<2x4x200xi32, #tpu.memory_space<vmem>> -> memref<1x4x200xi32, #tpu.memory_space<vmem>>
      %dma_start3A_247 = tpu.memref_squeeze %dma_start3A_246 : memref<1x4x200xi32, #tpu.memory_space<vmem>> -> memref<4x200xi32, #tpu.memory_space<vmem>>
      %dma_start3A_248 = arith.constant 0 : i32
      %dma_start3A_249 = tpu.memref_slice %arg2[%add3A_61, %dma_start3A_248] : memref<4096x200xi32, #tpu.memory_space<hbm>> -> memref<4x200xi32, #tpu.memory_space<hbm>>
      tpu.enqueue_dma source(%dma_start3A_249 : memref<4x200xi32, #tpu.memory_space<hbm>>) target(%dma_start3A_247 : memref<4x200xi32, #tpu.memory_space<vmem>>) target_semaphore(%run_scoped3A_237 : memref<!tpu.dma_semaphore, #tpu.memory_space<semaphore_mem>>)
      %dma_wait3A_250 = arith.constant 0 : i32
      %dma_wait3A_251 = arith.constant 0 : i32
      %dma_wait3A_252 = tpu.memref_slice %arg5[%run_scoped3A_62, %dma_wait3A_250, %dma_wait3A_251] : memref<2x4x200xi32, #tpu.memory_space<vmem>> -> memref<1x4x200xi32, #tpu.memory_space<vmem>>
      %dma_wait3A_253 = tpu.memref_squeeze %dma_wait3A_252 : memref<1x4x200xi32, #tpu.memory_space<vmem>> -> memref<4x200xi32, #tpu.memory_space<vmem>>
      %dma_wait3A_254 = arith.constant 0 : i32
      %dma_wait3A_255 = tpu.memref_slice %arg2[%add3A_61, %dma_wait3A_254] : memref<4096x200xi32, #tpu.memory_space<hbm>> -> memref<4x200xi32, #tpu.memory_space<hbm>>
      %dma_wait3A_256 = arith.constant 0 : i32
      %dma_wait3A_257 = arith.constant 0 : i32
      %dma_wait3A_258 = tpu.memref_slice %arg5[%run_scoped3A_62, %dma_wait3A_256, %dma_wait3A_257] : memref<2x4x200xi32, #tpu.memory_space<vmem>> -> memref<1x4x200xi32, #tpu.memory_space<vmem>>
      %dma_wait3A_259 = tpu.memref_squeeze %dma_wait3A_258 : memref<1x4x200xi32, #tpu.memory_space<vmem>> -> memref<4x200xi32, #tpu.memory_space<vmem>>
      %dma_wait3A_260 = arith.constant 0 : i32
      %dma_wait3A_261 = tpu.memref_slice %arg2[%add3A_61, %dma_wait3A_260] : memref<4096x200xi32, #tpu.memory_space<hbm>> -> memref<4x200xi32, #tpu.memory_space<hbm>>
      tpu.wait_dma2 semaphore(%run_scoped3A_237 : memref<!tpu.dma_semaphore, #tpu.memory_space<semaphore_mem>>) src(%dma_wait3A_261 : memref<4x200xi32, #tpu.memory_space<hbm>>) dst(%dma_wait3A_259 : memref<4x200xi32, #tpu.memory_space<vmem>>)
      tpu.yield
    }) : () -> ()
    %dma_start3A_63 = arith.constant 1 : i32
    %dma_start3A_64 = arith.constant 0 : i32
    %dma_start3A_65 = arith.constant 1 : i32
    %dma_start3A_66 = arith.constant 0 : i32
    %dma_start3A_67 = arith.constant 0 : i32
    %dma_start3A_68 = arith.constant 0 : i32
    %dma_start3A_69 = tpu.memref_slice %arg6[%dma_start3A_65, %dma_start3A_66, %dma_start3A_67, %dma_start3A_68] : memref<2x4x200x64xf32, #tpu.memory_space<vmem>> -> memref<1x1x200x64xf32, #tpu.memory_space<vmem>>
    %dma_start3A_70 = tpu.memref_squeeze %dma_start3A_69 : memref<1x1x200x64xf32, #tpu.memory_space<vmem>> -> memref<200x64xf32, #tpu.memory_space<vmem>>
    %dma_start3A_71 = arith.constant 0 : i32
    %dma_start3A_72 = tpu.memref_slice %arg5[%dma_start3A_63, %dma_start3A_64, %dma_start3A_71] : memref<2x4x200xi32, #tpu.memory_space<vmem>> -> memref<1x1x200xi32, #tpu.memory_space<vmem>>
    %dma_start3A_73 = tpu.memref_squeeze %dma_start3A_72 : memref<1x1x200xi32, #tpu.memory_space<vmem>> -> memref<200xi32, #tpu.memory_space<vmem>>
    %dma_start3A_74 = arith.constant 0 : i32
    %dma_start3A_75 = arith.constant 0 : i32
    %dma_start3A_76 = tpu.memref_slice %arg3[%dma_start3A_74, %dma_start3A_75] : memref<1000000x64xf32, #tpu.memory_space<hbm>> -> memref<1000000x64xf32, #tpu.memory_space<hbm>>
    tpu.enqueue_indirect_dma source(%dma_start3A_76 : memref<1000000x64xf32, #tpu.memory_space<hbm>>) target(%dma_start3A_70 : memref<200x64xf32, #tpu.memory_space<vmem>>) offsets(%dma_start3A_73 : memref<200xi32, #tpu.memory_space<vmem>>) semaphore(%arg7 : memref<!tpu.dma_semaphore, #tpu.memory_space<semaphore_mem>>)
    %dma_start3A_77 = arith.constant 1 : i32
    %dma_start3A_78 = arith.constant 1 : i32
    %dma_start3A_79 = arith.constant 1 : i32
    %dma_start3A_80 = arith.constant 1 : i32
    %dma_start3A_81 = arith.constant 0 : i32
    %dma_start3A_82 = arith.constant 0 : i32
    %dma_start3A_83 = tpu.memref_slice %arg6[%dma_start3A_79, %dma_start3A_80, %dma_start3A_81, %dma_start3A_82] : memref<2x4x200x64xf32, #tpu.memory_space<vmem>> -> memref<1x1x200x64xf32, #tpu.memory_space<vmem>>
    %dma_start3A_84 = tpu.memref_squeeze %dma_start3A_83 : memref<1x1x200x64xf32, #tpu.memory_space<vmem>> -> memref<200x64xf32, #tpu.memory_space<vmem>>
    %dma_start3A_85 = arith.constant 0 : i32
    %dma_start3A_86 = tpu.memref_slice %arg5[%dma_start3A_77, %dma_start3A_78, %dma_start3A_85] : memref<2x4x200xi32, #tpu.memory_space<vmem>> -> memref<1x1x200xi32, #tpu.memory_space<vmem>>
    %dma_start3A_87 = tpu.memref_squeeze %dma_start3A_86 : memref<1x1x200xi32, #tpu.memory_space<vmem>> -> memref<200xi32, #tpu.memory_space<vmem>>
    %dma_start3A_88 = arith.constant 0 : i32
    %dma_start3A_89 = arith.constant 0 : i32
    %dma_start3A_90 = tpu.memref_slice %arg3[%dma_start3A_88, %dma_start3A_89] : memref<1000000x64xf32, #tpu.memory_space<hbm>> -> memref<1000000x64xf32, #tpu.memory_space<hbm>>
    tpu.enqueue_indirect_dma source(%dma_start3A_90 : memref<1000000x64xf32, #tpu.memory_space<hbm>>) target(%dma_start3A_84 : memref<200x64xf32, #tpu.memory_space<vmem>>) offsets(%dma_start3A_87 : memref<200xi32, #tpu.memory_space<vmem>>) semaphore(%arg7 : memref<!tpu.dma_semaphore, #tpu.memory_space<semaphore_mem>>)
    %dma_start3A_91 = arith.constant 1 : i32
    %dma_start3A_92 = arith.constant 2 : i32
    %dma_start3A_93 = arith.constant 1 : i32
    %dma_start3A_94 = arith.constant 2 : i32
    %dma_start3A_95 = arith.constant 0 : i32
    %dma_start3A_96 = arith.constant 0 : i32
    %dma_start3A_97 = tpu.memref_slice %arg6[%dma_start3A_93, %dma_start3A_94, %dma_start3A_95, %dma_start3A_96] : memref<2x4x200x64xf32, #tpu.memory_space<vmem>> -> memref<1x1x200x64xf32, #tpu.memory_space<vmem>>
    %dma_start3A_98 = tpu.memref_squeeze %dma_start3A_97 : memref<1x1x200x64xf32, #tpu.memory_space<vmem>> -> memref<200x64xf32, #tpu.memory_space<vmem>>
    %dma_start3A_99 = arith.constant 0 : i32
    %dma_start3A_100 = tpu.memref_slice %arg5[%dma_start3A_91, %dma_start3A_92, %dma_start3A_99] : memref<2x4x200xi32, #tpu.memory_space<vmem>> -> memref<1x1x200xi32, #tpu.memory_space<vmem>>
    %dma_start3A_101 = tpu.memref_squeeze %dma_start3A_100 : memref<1x1x200xi32, #tpu.memory_space<vmem>> -> memref<200xi32, #tpu.memory_space<vmem>>
    %dma_start3A_102 = arith.constant 0 : i32
    %dma_start3A_103 = arith.constant 0 : i32
    %dma_start3A_104 = tpu.memref_slice %arg3[%dma_start3A_102, %dma_start3A_103] : memref<1000000x64xf32, #tpu.memory_space<hbm>> -> memref<1000000x64xf32, #tpu.memory_space<hbm>>
    tpu.enqueue_indirect_dma source(%dma_start3A_104 : memref<1000000x64xf32, #tpu.memory_space<hbm>>) target(%dma_start3A_98 : memref<200x64xf32, #tpu.memory_space<vmem>>) offsets(%dma_start3A_101 : memref<200xi32, #tpu.memory_space<vmem>>) semaphore(%arg7 : memref<!tpu.dma_semaphore, #tpu.memory_space<semaphore_mem>>)
    %dma_start3A_105 = arith.constant 1 : i32
    %dma_start3A_106 = arith.constant 3 : i32
    %dma_start3A_107 = arith.constant 1 : i32
    %dma_start3A_108 = arith.constant 3 : i32
    %dma_start3A_109 = arith.constant 0 : i32
    %dma_start3A_110 = arith.constant 0 : i32
    %dma_start3A_111 = tpu.memref_slice %arg6[%dma_start3A_107, %dma_start3A_108, %dma_start3A_109, %dma_start3A_110] : memref<2x4x200x64xf32, #tpu.memory_space<vmem>> -> memref<1x1x200x64xf32, #tpu.memory_space<vmem>>
    %dma_start3A_112 = tpu.memref_squeeze %dma_start3A_111 : memref<1x1x200x64xf32, #tpu.memory_space<vmem>> -> memref<200x64xf32, #tpu.memory_space<vmem>>
    %dma_start3A_113 = arith.constant 0 : i32
    %dma_start3A_114 = tpu.memref_slice %arg5[%dma_start3A_105, %dma_start3A_106, %dma_start3A_113] : memref<2x4x200xi32, #tpu.memory_space<vmem>> -> memref<1x1x200xi32, #tpu.memory_space<vmem>>
    %dma_start3A_115 = tpu.memref_squeeze %dma_start3A_114 : memref<1x1x200xi32, #tpu.memory_space<vmem>> -> memref<200xi32, #tpu.memory_space<vmem>>
    %dma_start3A_116 = arith.constant 0 : i32
    %dma_start3A_117 = arith.constant 0 : i32
    %dma_start3A_118 = tpu.memref_slice %arg3[%dma_start3A_116, %dma_start3A_117] : memref<1000000x64xf32, #tpu.memory_space<hbm>> -> memref<1000000x64xf32, #tpu.memory_space<hbm>>
    tpu.enqueue_indirect_dma source(%dma_start3A_118 : memref<1000000x64xf32, #tpu.memory_space<hbm>>) target(%dma_start3A_112 : memref<200x64xf32, #tpu.memory_space<vmem>>) offsets(%dma_start3A_115 : memref<200xi32, #tpu.memory_space<vmem>>) semaphore(%arg7 : memref<!tpu.dma_semaphore, #tpu.memory_space<semaphore_mem>>)
    %dma_wait3A = arith.constant 0 : i32
    %dma_wait3A_119 = arith.constant 0 : i32
    %dma_wait3A_120 = arith.constant 0 : i32
    %dma_wait3A_121 = arith.constant 0 : i32
    %dma_wait3A_122 = tpu.memref_slice %arg6[%dma_wait3A, %dma_wait3A_119, %dma_wait3A_120, %dma_wait3A_121] : memref<2x4x200x64xf32, #tpu.memory_space<vmem>> -> memref<1x4x200x64xf32, #tpu.memory_space<vmem>>
    %dma_wait3A_123 = tpu.memref_squeeze %dma_wait3A_122 : memref<1x4x200x64xf32, #tpu.memory_space<vmem>> -> memref<4x200x64xf32, #tpu.memory_space<vmem>>
    %dma_wait3A_124 = arith.constant 0 : i32
    %dma_wait3A_125 = arith.constant 0 : i32
    %dma_wait3A_126 = arith.constant 0 : i32
    %dma_wait3A_127 = tpu.memref_slice %arg4[%dma_wait3A_124, %dma_wait3A_125, %dma_wait3A_126] : memref<4096x200x128xf32, #tpu.memory_space<hbm>> -> memref<4x200x64xf32, #tpu.memory_space<hbm>>
    %dma_wait3A_128 = arith.constant 0 : i32
    %dma_wait3A_129 = arith.constant 0 : i32
    %dma_wait3A_130 = arith.constant 0 : i32
    %dma_wait3A_131 = tpu.memref_slice %arg6[%dma_wait3A, %dma_wait3A_128, %dma_wait3A_129, %dma_wait3A_130] : memref<2x4x200x64xf32, #tpu.memory_space<vmem>> -> memref<1x4x200x64xf32, #tpu.memory_space<vmem>>
    %dma_wait3A_132 = tpu.memref_squeeze %dma_wait3A_131 : memref<1x4x200x64xf32, #tpu.memory_space<vmem>> -> memref<4x200x64xf32, #tpu.memory_space<vmem>>
    %dma_wait3A_133 = arith.constant 0 : i32
    %dma_wait3A_134 = arith.constant 0 : i32
    %dma_wait3A_135 = arith.constant 0 : i32
    %dma_wait3A_136 = tpu.memref_slice %arg4[%dma_wait3A_133, %dma_wait3A_134, %dma_wait3A_135] : memref<4096x200x128xf32, #tpu.memory_space<hbm>> -> memref<4x200x64xf32, #tpu.memory_space<hbm>>
    tpu.wait_dma2 semaphore(%arg7 : memref<!tpu.dma_semaphore, #tpu.memory_space<semaphore_mem>>) src(%dma_wait3A_136 : memref<4x200x64xf32, #tpu.memory_space<hbm>>) dst(%dma_wait3A_132 : memref<4x200x64xf32, #tpu.memory_space<vmem>>)
    %add3A_137 = arith.constant 0 : i32
    %add3A_138 = arith.addi %mul3A_2, %add3A_137 : i32
    %dma_start3A_139 = arith.constant 0 : i32
    %dma_start3A_140 = arith.constant 0 : i32
    %dma_start3A_141 = arith.constant 0 : i32
    %dma_start3A_142 = arith.constant 0 : i32
    %dma_start3A_143 = tpu.memref_slice %arg6[%dma_start3A_139, %dma_start3A_140, %dma_start3A_141, %dma_start3A_142] : memref<2x4x200x64xf32, #tpu.memory_space<vmem>> -> memref<1x4x200x64xf32, #tpu.memory_space<vmem>>
    %dma_start3A_144 = tpu.memref_squeeze %dma_start3A_143 : memref<1x4x200x64xf32, #tpu.memory_space<vmem>> -> memref<4x200x64xf32, #tpu.memory_space<vmem>>
    %dma_start3A_145 = arith.constant 0 : i32
    %dma_start3A_146 = arith.constant 0 : i32
    %dma_start3A_147 = tpu.memref_slice %arg4[%add3A_138, %dma_start3A_145, %dma_start3A_146] : memref<4096x200x128xf32, #tpu.memory_space<hbm>> -> memref<4x200x64xf32, #tpu.memory_space<hbm>>
    %dma_start3A_148 = arith.constant 0 : i32
    %dma_start3A_149 = arith.constant 0 : i32
    %dma_start3A_150 = tpu.memref_slice %arg4[%add3A_138, %dma_start3A_148, %dma_start3A_149] : memref<4096x200x128xf32, #tpu.memory_space<hbm>> -> memref<4x200x64xf32, #tpu.memory_space<hbm>>
    %dma_start3A_151 = arith.constant 0 : i32
    %dma_start3A_152 = arith.constant 0 : i32
    %dma_start3A_153 = arith.constant 0 : i32
    %dma_start3A_154 = tpu.memref_slice %arg6[%dma_start3A_139, %dma_start3A_151, %dma_start3A_152, %dma_start3A_153] : memref<2x4x200x64xf32, #tpu.memory_space<vmem>> -> memref<1x4x200x64xf32, #tpu.memory_space<vmem>>
    %dma_start3A_155 = tpu.memref_squeeze %dma_start3A_154 : memref<1x4x200x64xf32, #tpu.memory_space<vmem>> -> memref<4x200x64xf32, #tpu.memory_space<vmem>>
    tpu.enqueue_dma source(%dma_start3A_155 : memref<4x200x64xf32, #tpu.memory_space<vmem>>) target(%dma_start3A_150 : memref<4x200x64xf32, #tpu.memory_space<hbm>>) target_semaphore(%arg8 : memref<!tpu.dma_semaphore, #tpu.memory_space<semaphore_mem>>)
    %scan3A = arith.constant 0 : i32
    %scan3A_156 = arith.constant 0 : i32
    %scan3A_157 = arith.constant 15 : i32
    %scan3A_158 = arith.addi %scan3A_156, %scan3A_157 : i32
    %scan3A_159 = arith.constant 1 : i32
    scf.for %scan3A_237 = %scan3A_156 to %scan3A_158 step %scan3A_159  : i32 {
      %mul3A_238 = arith.constant 2 : i32
      %mul3A_239 = arith.muli %mul3A_238, %scan3A_237 : i32
      %add3A_240 = arith.constant 1 : i32
      %add3A_241 = arith.addi %add3A_240, %mul3A_239 : i32
      %add3A_242 = arith.constant 0 : i32
      %add3A_243 = arith.addi %add3A_241, %add3A_242 : i32
      %dma_wait3A_244 = arith.constant 0 : i32
      %dma_wait3A_245 = arith.constant 0 : i32
      %dma_wait3A_246 = arith.constant 0 : i32
      %dma_wait3A_247 = arith.constant 0 : i32
      %dma_wait3A_248 = tpu.memref_slice %arg6[%dma_wait3A_244, %dma_wait3A_245, %dma_wait3A_246, %dma_wait3A_247] : memref<2x4x200x64xf32, #tpu.memory_space<vmem>> -> memref<1x4x200x64xf32, #tpu.memory_space<vmem>>
      %dma_wait3A_249 = tpu.memref_squeeze %dma_wait3A_248 : memref<1x4x200x64xf32, #tpu.memory_space<vmem>> -> memref<4x200x64xf32, #tpu.memory_space<vmem>>
      %dma_wait3A_250 = arith.constant 0 : i32
      %dma_wait3A_251 = arith.constant 0 : i32
      %dma_wait3A_252 = arith.constant 0 : i32
      %dma_wait3A_253 = tpu.memref_slice %arg4[%dma_wait3A_250, %dma_wait3A_251, %dma_wait3A_252] : memref<4096x200x128xf32, #tpu.memory_space<hbm>> -> memref<4x200x64xf32, #tpu.memory_space<hbm>>
      %dma_wait3A_254 = arith.constant 0 : i32
      %dma_wait3A_255 = arith.constant 0 : i32
      %dma_wait3A_256 = arith.constant 0 : i32
      %dma_wait3A_257 = tpu.memref_slice %arg4[%dma_wait3A_254, %dma_wait3A_255, %dma_wait3A_256] : memref<4096x200x128xf32, #tpu.memory_space<hbm>> -> memref<4x200x64xf32, #tpu.memory_space<hbm>>
      %dma_wait3A_258 = arith.constant 0 : i32
      %dma_wait3A_259 = arith.constant 0 : i32
      %dma_wait3A_260 = arith.constant 0 : i32
      %dma_wait3A_261 = tpu.memref_slice %arg6[%dma_wait3A_244, %dma_wait3A_258, %dma_wait3A_259, %dma_wait3A_260] : memref<2x4x200x64xf32, #tpu.memory_space<vmem>> -> memref<1x4x200x64xf32, #tpu.memory_space<vmem>>
      %dma_wait3A_262 = tpu.memref_squeeze %dma_wait3A_261 : memref<1x4x200x64xf32, #tpu.memory_space<vmem>> -> memref<4x200x64xf32, #tpu.memory_space<vmem>>
      tpu.wait_dma2 semaphore(%arg8 : memref<!tpu.dma_semaphore, #tpu.memory_space<semaphore_mem>>) src(%dma_wait3A_262 : memref<4x200x64xf32, #tpu.memory_space<vmem>>) dst(%dma_wait3A_257 : memref<4x200x64xf32, #tpu.memory_space<hbm>>)
      %add3A_263 = arith.constant 1 : i32
      %add3A_264 = arith.addi %add3A_243, %add3A_263 : i32
      %mul3A_265 = arith.constant 4 : i32
      %mul3A_266 = arith.muli %add3A_264, %mul3A_265 : i32
      %add3A_267 = arith.addi %mul3A_2, %mul3A_266 : i32
      %run_scoped3A_268 = arith.constant 0 : i32
      "tpu.region"() ({
        %run_scoped3A_486 = tpu.sem_alloc : memref<!tpu.dma_semaphore, #tpu.memory_space<semaphore_mem>>
        %dma_start3A_487 = arith.constant 0 : i32
        %dma_start3A_488 = arith.constant 0 : i32
        %dma_start3A_489 = tpu.memref_slice %arg5[%run_scoped3A_268, %dma_start3A_487, %dma_start3A_488] : memref<2x4x200xi32, #tpu.memory_space<vmem>> -> memref<1x4x200xi32, #tpu.memory_space<vmem>>
        %dma_start3A_490 = tpu.memref_squeeze %dma_start3A_489 : memref<1x4x200xi32, #tpu.memory_space<vmem>> -> memref<4x200xi32, #tpu.memory_space<vmem>>
        %dma_start3A_491 = arith.constant 0 : i32
        %dma_start3A_492 = tpu.memref_slice %arg2[%add3A_267, %dma_start3A_491] : memref<4096x200xi32, #tpu.memory_space<hbm>> -> memref<4x200xi32, #tpu.memory_space<hbm>>
        %dma_start3A_493 = arith.constant 0 : i32
        %dma_start3A_494 = arith.constant 0 : i32
        %dma_start3A_495 = tpu.memref_slice %arg5[%run_scoped3A_268, %dma_start3A_493, %dma_start3A_494] : memref<2x4x200xi32, #tpu.memory_space<vmem>> -> memref<1x4x200xi32, #tpu.memory_space<vmem>>
        %dma_start3A_496 = tpu.memref_squeeze %dma_start3A_495 : memref<1x4x200xi32, #tpu.memory_space<vmem>> -> memref<4x200xi32, #tpu.memory_space<vmem>>
        %dma_start3A_497 = arith.constant 0 : i32
        %dma_start3A_498 = tpu.memref_slice %arg2[%add3A_267, %dma_start3A_497] : memref<4096x200xi32, #tpu.memory_space<hbm>> -> memref<4x200xi32, #tpu.memory_space<hbm>>
        tpu.enqueue_dma source(%dma_start3A_498 : memref<4x200xi32, #tpu.memory_space<hbm>>) target(%dma_start3A_496 : memref<4x200xi32, #tpu.memory_space<vmem>>) target_semaphore(%run_scoped3A_486 : memref<!tpu.dma_semaphore, #tpu.memory_space<semaphore_mem>>)
        %dma_wait3A_499 = arith.constant 0 : i32
        %dma_wait3A_500 = arith.constant 0 : i32
        %dma_wait3A_501 = tpu.memref_slice %arg5[%run_scoped3A_268, %dma_wait3A_499, %dma_wait3A_500] : memref<2x4x200xi32, #tpu.memory_space<vmem>> -> memref<1x4x200xi32, #tpu.memory_space<vmem>>
        %dma_wait3A_502 = tpu.memref_squeeze %dma_wait3A_501 : memref<1x4x200xi32, #tpu.memory_space<vmem>> -> memref<4x200xi32, #tpu.memory_space<vmem>>
        %dma_wait3A_503 = arith.constant 0 : i32
        %dma_wait3A_504 = tpu.memref_slice %arg2[%add3A_267, %dma_wait3A_503] : memref<4096x200xi32, #tpu.memory_space<hbm>> -> memref<4x200xi32, #tpu.memory_space<hbm>>
        %dma_wait3A_505 = arith.constant 0 : i32
        %dma_wait3A_506 = arith.constant 0 : i32
        %dma_wait3A_507 = tpu.memref_slice %arg5[%run_scoped3A_268, %dma_wait3A_505, %dma_wait3A_506] : memref<2x4x200xi32, #tpu.memory_space<vmem>> -> memref<1x4x200xi32, #tpu.memory_space<vmem>>
        %dma_wait3A_508 = tpu.memref_squeeze %dma_wait3A_507 : memref<1x4x200xi32, #tpu.memory_space<vmem>> -> memref<4x200xi32, #tpu.memory_space<vmem>>
        %dma_wait3A_509 = arith.constant 0 : i32
        %dma_wait3A_510 = tpu.memref_slice %arg2[%add3A_267, %dma_wait3A_509] : memref<4096x200xi32, #tpu.memory_space<hbm>> -> memref<4x200xi32, #tpu.memory_space<hbm>>
        tpu.wait_dma2 semaphore(%run_scoped3A_486 : memref<!tpu.dma_semaphore, #tpu.memory_space<semaphore_mem>>) src(%dma_wait3A_510 : memref<4x200xi32, #tpu.memory_space<hbm>>) dst(%dma_wait3A_508 : memref<4x200xi32, #tpu.memory_space<vmem>>)
        tpu.yield
      }) : () -> ()
      %dma_start3A_269 = arith.constant 0 : i32
      %dma_start3A_270 = arith.constant 0 : i32
      %dma_start3A_271 = arith.constant 0 : i32
      %dma_start3A_272 = arith.constant 0 : i32
      %dma_start3A_273 = arith.constant 0 : i32
      %dma_start3A_274 = arith.constant 0 : i32
      %dma_start3A_275 = tpu.memref_slice %arg6[%dma_start3A_271, %dma_start3A_272, %dma_start3A_273, %dma_start3A_274] : memref<2x4x200x64xf32, #tpu.memory_space<vmem>> -> memref<1x1x200x64xf32, #tpu.memory_space<vmem>>
      %dma_start3A_276 = tpu.memref_squeeze %dma_start3A_275 : memref<1x1x200x64xf32, #tpu.memory_space<vmem>> -> memref<200x64xf32, #tpu.memory_space<vmem>>
      %dma_start3A_277 = arith.constant 0 : i32
      %dma_start3A_278 = tpu.memref_slice %arg5[%dma_start3A_269, %dma_start3A_270, %dma_start3A_277] : memref<2x4x200xi32, #tpu.memory_space<vmem>> -> memref<1x1x200xi32, #tpu.memory_space<vmem>>
      %dma_start3A_279 = tpu.memref_squeeze %dma_start3A_278 : memref<1x1x200xi32, #tpu.memory_space<vmem>> -> memref<200xi32, #tpu.memory_space<vmem>>
      %dma_start3A_280 = arith.constant 0 : i32
      %dma_start3A_281 = arith.constant 0 : i32
      %dma_start3A_282 = tpu.memref_slice %arg3[%dma_start3A_280, %dma_start3A_281] : memref<1000000x64xf32, #tpu.memory_space<hbm>> -> memref<1000000x64xf32, #tpu.memory_space<hbm>>
      tpu.enqueue_indirect_dma source(%dma_start3A_282 : memref<1000000x64xf32, #tpu.memory_space<hbm>>) target(%dma_start3A_276 : memref<200x64xf32, #tpu.memory_space<vmem>>) offsets(%dma_start3A_279 : memref<200xi32, #tpu.memory_space<vmem>>) semaphore(%arg7 : memref<!tpu.dma_semaphore, #tpu.memory_space<semaphore_mem>>)
      %dma_start3A_283 = arith.constant 0 : i32
      %dma_start3A_284 = arith.constant 1 : i32
      %dma_start3A_285 = arith.constant 0 : i32
      %dma_start3A_286 = arith.constant 1 : i32
      %dma_start3A_287 = arith.constant 0 : i32
      %dma_start3A_288 = arith.constant 0 : i32
      %dma_start3A_289 = tpu.memref_slice %arg6[%dma_start3A_285, %dma_start3A_286, %dma_start3A_287, %dma_start3A_288] : memref<2x4x200x64xf32, #tpu.memory_space<vmem>> -> memref<1x1x200x64xf32, #tpu.memory_space<vmem>>
      %dma_start3A_290 = tpu.memref_squeeze %dma_start3A_289 : memref<1x1x200x64xf32, #tpu.memory_space<vmem>> -> memref<200x64xf32, #tpu.memory_space<vmem>>
      %dma_start3A_291 = arith.constant 0 : i32
      %dma_start3A_292 = tpu.memref_slice %arg5[%dma_start3A_283, %dma_start3A_284, %dma_start3A_291] : memref<2x4x200xi32, #tpu.memory_space<vmem>> -> memref<1x1x200xi32, #tpu.memory_space<vmem>>
      %dma_start3A_293 = tpu.memref_squeeze %dma_start3A_292 : memref<1x1x200xi32, #tpu.memory_space<vmem>> -> memref<200xi32, #tpu.memory_space<vmem>>
      %dma_start3A_294 = arith.constant 0 : i32
      %dma_start3A_295 = arith.constant 0 : i32
      %dma_start3A_296 = tpu.memref_slice %arg3[%dma_start3A_294, %dma_start3A_295] : memref<1000000x64xf32, #tpu.memory_space<hbm>> -> memref<1000000x64xf32, #tpu.memory_space<hbm>>
      tpu.enqueue_indirect_dma source(%dma_start3A_296 : memref<1000000x64xf32, #tpu.memory_space<hbm>>) target(%dma_start3A_290 : memref<200x64xf32, #tpu.memory_space<vmem>>) offsets(%dma_start3A_293 : memref<200xi32, #tpu.memory_space<vmem>>) semaphore(%arg7 : memref<!tpu.dma_semaphore, #tpu.memory_space<semaphore_mem>>)
      %dma_start3A_297 = arith.constant 0 : i32
      %dma_start3A_298 = arith.constant 2 : i32
      %dma_start3A_299 = arith.constant 0 : i32
      %dma_start3A_300 = arith.constant 2 : i32
      %dma_start3A_301 = arith.constant 0 : i32
      %dma_start3A_302 = arith.constant 0 : i32
      %dma_start3A_303 = tpu.memref_slice %arg6[%dma_start3A_299, %dma_start3A_300, %dma_start3A_301, %dma_start3A_302] : memref<2x4x200x64xf32, #tpu.memory_space<vmem>> -> memref<1x1x200x64xf32, #tpu.memory_space<vmem>>
      %dma_start3A_304 = tpu.memref_squeeze %dma_start3A_303 : memref<1x1x200x64xf32, #tpu.memory_space<vmem>> -> memref<200x64xf32, #tpu.memory_space<vmem>>
      %dma_start3A_305 = arith.constant 0 : i32
      %dma_start3A_306 = tpu.memref_slice %arg5[%dma_start3A_297, %dma_start3A_298, %dma_start3A_305] : memref<2x4x200xi32, #tpu.memory_space<vmem>> -> memref<1x1x200xi32, #tpu.memory_space<vmem>>
      %dma_start3A_307 = tpu.memref_squeeze %dma_start3A_306 : memref<1x1x200xi32, #tpu.memory_space<vmem>> -> memref<200xi32, #tpu.memory_space<vmem>>
      %dma_start3A_308 = arith.constant 0 : i32
      %dma_start3A_309 = arith.constant 0 : i32
      %dma_start3A_310 = tpu.memref_slice %arg3[%dma_start3A_308, %dma_start3A_309] : memref<1000000x64xf32, #tpu.memory_space<hbm>> -> memref<1000000x64xf32, #tpu.memory_space<hbm>>
      tpu.enqueue_indirect_dma source(%dma_start3A_310 : memref<1000000x64xf32, #tpu.memory_space<hbm>>) target(%dma_start3A_304 : memref<200x64xf32, #tpu.memory_space<vmem>>) offsets(%dma_start3A_307 : memref<200xi32, #tpu.memory_space<vmem>>) semaphore(%arg7 : memref<!tpu.dma_semaphore, #tpu.memory_space<semaphore_mem>>)
      %dma_start3A_311 = arith.constant 0 : i32
      %dma_start3A_312 = arith.constant 3 : i32
      %dma_start3A_313 = arith.constant 0 : i32
      %dma_start3A_314 = arith.constant 3 : i32
      %dma_start3A_315 = arith.constant 0 : i32
      %dma_start3A_316 = arith.constant 0 : i32
      %dma_start3A_317 = tpu.memref_slice %arg6[%dma_start3A_313, %dma_start3A_314, %dma_start3A_315, %dma_start3A_316] : memref<2x4x200x64xf32, #tpu.memory_space<vmem>> -> memref<1x1x200x64xf32, #tpu.memory_space<vmem>>
      %dma_start3A_318 = tpu.memref_squeeze %dma_start3A_317 : memref<1x1x200x64xf32, #tpu.memory_space<vmem>> -> memref<200x64xf32, #tpu.memory_space<vmem>>
      %dma_start3A_319 = arith.constant 0 : i32
      %dma_start3A_320 = tpu.memref_slice %arg5[%dma_start3A_311, %dma_start3A_312, %dma_start3A_319] : memref<2x4x200xi32, #tpu.memory_space<vmem>> -> memref<1x1x200xi32, #tpu.memory_space<vmem>>
      %dma_start3A_321 = tpu.memref_squeeze %dma_start3A_320 : memref<1x1x200xi32, #tpu.memory_space<vmem>> -> memref<200xi32, #tpu.memory_space<vmem>>
      %dma_start3A_322 = arith.constant 0 : i32
      %dma_start3A_323 = arith.constant 0 : i32
      %dma_start3A_324 = tpu.memref_slice %arg3[%dma_start3A_322, %dma_start3A_323] : memref<1000000x64xf32, #tpu.memory_space<hbm>> -> memref<1000000x64xf32, #tpu.memory_space<hbm>>
      tpu.enqueue_indirect_dma source(%dma_start3A_324 : memref<1000000x64xf32, #tpu.memory_space<hbm>>) target(%dma_start3A_318 : memref<200x64xf32, #tpu.memory_space<vmem>>) offsets(%dma_start3A_321 : memref<200xi32, #tpu.memory_space<vmem>>) semaphore(%arg7 : memref<!tpu.dma_semaphore, #tpu.memory_space<semaphore_mem>>)
      %dma_wait3A_325 = arith.constant 1 : i32
      %dma_wait3A_326 = arith.constant 0 : i32
      %dma_wait3A_327 = arith.constant 0 : i32
      %dma_wait3A_328 = arith.constant 0 : i32
      %dma_wait3A_329 = tpu.memref_slice %arg6[%dma_wait3A_325, %dma_wait3A_326, %dma_wait3A_327, %dma_wait3A_328] : memref<2x4x200x64xf32, #tpu.memory_space<vmem>> -> memref<1x4x200x64xf32, #tpu.memory_space<vmem>>
      %dma_wait3A_330 = tpu.memref_squeeze %dma_wait3A_329 : memref<1x4x200x64xf32, #tpu.memory_space<vmem>> -> memref<4x200x64xf32, #tpu.memory_space<vmem>>
      %dma_wait3A_331 = arith.constant 0 : i32
      %dma_wait3A_332 = arith.constant 0 : i32
      %dma_wait3A_333 = arith.constant 0 : i32
      %dma_wait3A_334 = tpu.memref_slice %arg4[%dma_wait3A_331, %dma_wait3A_332, %dma_wait3A_333] : memref<4096x200x128xf32, #tpu.memory_space<hbm>> -> memref<4x200x64xf32, #tpu.memory_space<hbm>>
      %dma_wait3A_335 = arith.constant 0 : i32
      %dma_wait3A_336 = arith.constant 0 : i32
      %dma_wait3A_337 = arith.constant 0 : i32
      %dma_wait3A_338 = tpu.memref_slice %arg6[%dma_wait3A_325, %dma_wait3A_335, %dma_wait3A_336, %dma_wait3A_337] : memref<2x4x200x64xf32, #tpu.memory_space<vmem>> -> memref<1x4x200x64xf32, #tpu.memory_space<vmem>>
      %dma_wait3A_339 = tpu.memref_squeeze %dma_wait3A_338 : memref<1x4x200x64xf32, #tpu.memory_space<vmem>> -> memref<4x200x64xf32, #tpu.memory_space<vmem>>
      %dma_wait3A_340 = arith.constant 0 : i32
      %dma_wait3A_341 = arith.constant 0 : i32
      %dma_wait3A_342 = arith.constant 0 : i32
      %dma_wait3A_343 = tpu.memref_slice %arg4[%dma_wait3A_340, %dma_wait3A_341, %dma_wait3A_342] : memref<4096x200x128xf32, #tpu.memory_space<hbm>> -> memref<4x200x64xf32, #tpu.memory_space<hbm>>
      tpu.wait_dma2 semaphore(%arg7 : memref<!tpu.dma_semaphore, #tpu.memory_space<semaphore_mem>>) src(%dma_wait3A_343 : memref<4x200x64xf32, #tpu.memory_space<hbm>>) dst(%dma_wait3A_339 : memref<4x200x64xf32, #tpu.memory_space<vmem>>)
      %mul3A_344 = arith.constant 4 : i32
      %mul3A_345 = arith.muli %add3A_243, %mul3A_344 : i32
      %add3A_346 = arith.addi %mul3A_2, %mul3A_345 : i32
      %dma_start3A_347 = arith.constant 1 : i32
      %dma_start3A_348 = arith.constant 0 : i32
      %dma_start3A_349 = arith.constant 0 : i32
      %dma_start3A_350 = arith.constant 0 : i32
      %dma_start3A_351 = tpu.memref_slice %arg6[%dma_start3A_347, %dma_start3A_348, %dma_start3A_349, %dma_start3A_350] : memref<2x4x200x64xf32, #tpu.memory_space<vmem>> -> memref<1x4x200x64xf32, #tpu.memory_space<vmem>>
      %dma_start3A_352 = tpu.memref_squeeze %dma_start3A_351 : memref<1x4x200x64xf32, #tpu.memory_space<vmem>> -> memref<4x200x64xf32, #tpu.memory_space<vmem>>
      %dma_start3A_353 = arith.constant 0 : i32
      %dma_start3A_354 = arith.constant 0 : i32
      %dma_start3A_355 = tpu.memref_slice %arg4[%add3A_346, %dma_start3A_353, %dma_start3A_354] : memref<4096x200x128xf32, #tpu.memory_space<hbm>> -> memref<4x200x64xf32, #tpu.memory_space<hbm>>
      %dma_start3A_356 = arith.constant 0 : i32
      %dma_start3A_357 = arith.constant 0 : i32
      %dma_start3A_358 = tpu.memref_slice %arg4[%add3A_346, %dma_start3A_356, %dma_start3A_357] : memref<4096x200x128xf32, #tpu.memory_space<hbm>> -> memref<4x200x64xf32, #tpu.memory_space<hbm>>
      %dma_start3A_359 = arith.constant 0 : i32
      %dma_start3A_360 = arith.constant 0 : i32
      %dma_start3A_361 = arith.constant 0 : i32
      %dma_start3A_362 = tpu.memref_slice %arg6[%dma_start3A_347, %dma_start3A_359, %dma_start3A_360, %dma_start3A_361] : memref<2x4x200x64xf32, #tpu.memory_space<vmem>> -> memref<1x4x200x64xf32, #tpu.memory_space<vmem>>
      %dma_start3A_363 = tpu.memref_squeeze %dma_start3A_362 : memref<1x4x200x64xf32, #tpu.memory_space<vmem>> -> memref<4x200x64xf32, #tpu.memory_space<vmem>>
      tpu.enqueue_dma source(%dma_start3A_363 : memref<4x200x64xf32, #tpu.memory_space<vmem>>) target(%dma_start3A_358 : memref<4x200x64xf32, #tpu.memory_space<hbm>>) target_semaphore(%arg8 : memref<!tpu.dma_semaphore, #tpu.memory_space<semaphore_mem>>)
      %add3A_364 = arith.constant 1 : i32
      %add3A_365 = arith.addi %add3A_241, %add3A_364 : i32
      %dma_wait3A_366 = arith.constant 1 : i32
      %dma_wait3A_367 = arith.constant 0 : i32
      %dma_wait3A_368 = arith.constant 0 : i32
      %dma_wait3A_369 = arith.constant 0 : i32
      %dma_wait3A_370 = tpu.memref_slice %arg6[%dma_wait3A_366, %dma_wait3A_367, %dma_wait3A_368, %dma_wait3A_369] : memref<2x4x200x64xf32, #tpu.memory_space<vmem>> -> memref<1x4x200x64xf32, #tpu.memory_space<vmem>>
      %dma_wait3A_371 = tpu.memref_squeeze %dma_wait3A_370 : memref<1x4x200x64xf32, #tpu.memory_space<vmem>> -> memref<4x200x64xf32, #tpu.memory_space<vmem>>
      %dma_wait3A_372 = arith.constant 0 : i32
      %dma_wait3A_373 = arith.constant 0 : i32
      %dma_wait3A_374 = arith.constant 0 : i32
      %dma_wait3A_375 = tpu.memref_slice %arg4[%dma_wait3A_372, %dma_wait3A_373, %dma_wait3A_374] : memref<4096x200x128xf32, #tpu.memory_space<hbm>> -> memref<4x200x64xf32, #tpu.memory_space<hbm>>
      %dma_wait3A_376 = arith.constant 0 : i32
      %dma_wait3A_377 = arith.constant 0 : i32
      %dma_wait3A_378 = arith.constant 0 : i32
      %dma_wait3A_379 = tpu.memref_slice %arg4[%dma_wait3A_376, %dma_wait3A_377, %dma_wait3A_378] : memref<4096x200x128xf32, #tpu.memory_space<hbm>> -> memref<4x200x64xf32, #tpu.memory_space<hbm>>
      %dma_wait3A_380 = arith.constant 0 : i32
      %dma_wait3A_381 = arith.constant 0 : i32
      %dma_wait3A_382 = arith.constant 0 : i32
      %dma_wait3A_383 = tpu.memref_slice %arg6[%dma_wait3A_366, %dma_wait3A_380, %dma_wait3A_381, %dma_wait3A_382] : memref<2x4x200x64xf32, #tpu.memory_space<vmem>> -> memref<1x4x200x64xf32, #tpu.memory_space<vmem>>
      %dma_wait3A_384 = tpu.memref_squeeze %dma_wait3A_383 : memref<1x4x200x64xf32, #tpu.memory_space<vmem>> -> memref<4x200x64xf32, #tpu.memory_space<vmem>>
      tpu.wait_dma2 semaphore(%arg8 : memref<!tpu.dma_semaphore, #tpu.memory_space<semaphore_mem>>) src(%dma_wait3A_384 : memref<4x200x64xf32, #tpu.memory_space<vmem>>) dst(%dma_wait3A_379 : memref<4x200x64xf32, #tpu.memory_space<hbm>>)
      %add3A_385 = arith.constant 1 : i32
      %add3A_386 = arith.addi %add3A_365, %add3A_385 : i32
      %mul3A_387 = arith.constant 4 : i32
      %mul3A_388 = arith.muli %add3A_386, %mul3A_387 : i32
      %add3A_389 = arith.addi %mul3A_2, %mul3A_388 : i32
      %run_scoped3A_390 = arith.constant 1 : i32
      "tpu.region"() ({
        %run_scoped3A_486 = tpu.sem_alloc : memref<!tpu.dma_semaphore, #tpu.memory_space<semaphore_mem>>
        %dma_start3A_487 = arith.constant 0 : i32
        %dma_start3A_488 = arith.constant 0 : i32
        %dma_start3A_489 = tpu.memref_slice %arg5[%run_scoped3A_390, %dma_start3A_487, %dma_start3A_488] : memref<2x4x200xi32, #tpu.memory_space<vmem>> -> memref<1x4x200xi32, #tpu.memory_space<vmem>>
        %dma_start3A_490 = tpu.memref_squeeze %dma_start3A_489 : memref<1x4x200xi32, #tpu.memory_space<vmem>> -> memref<4x200xi32, #tpu.memory_space<vmem>>
        %dma_start3A_491 = arith.constant 0 : i32
        %dma_start3A_492 = tpu.memref_slice %arg2[%add3A_389, %dma_start3A_491] : memref<4096x200xi32, #tpu.memory_space<hbm>> -> memref<4x200xi32, #tpu.memory_space<hbm>>
        %dma_start3A_493 = arith.constant 0 : i32
        %dma_start3A_494 = arith.constant 0 : i32
        %dma_start3A_495 = tpu.memref_slice %arg5[%run_scoped3A_390, %dma_start3A_493, %dma_start3A_494] : memref<2x4x200xi32, #tpu.memory_space<vmem>> -> memref<1x4x200xi32, #tpu.memory_space<vmem>>
        %dma_start3A_496 = tpu.memref_squeeze %dma_start3A_495 : memref<1x4x200xi32, #tpu.memory_space<vmem>> -> memref<4x200xi32, #tpu.memory_space<vmem>>
        %dma_start3A_497 = arith.constant 0 : i32
        %dma_start3A_498 = tpu.memref_slice %arg2[%add3A_389, %dma_start3A_497] : memref<4096x200xi32, #tpu.memory_space<hbm>> -> memref<4x200xi32, #tpu.memory_space<hbm>>
        tpu.enqueue_dma source(%dma_start3A_498 : memref<4x200xi32, #tpu.memory_space<hbm>>) target(%dma_start3A_496 : memref<4x200xi32, #tpu.memory_space<vmem>>) target_semaphore(%run_scoped3A_486 : memref<!tpu.dma_semaphore, #tpu.memory_space<semaphore_mem>>)
        %dma_wait3A_499 = arith.constant 0 : i32
        %dma_wait3A_500 = arith.constant 0 : i32
        %dma_wait3A_501 = tpu.memref_slice %arg5[%run_scoped3A_390, %dma_wait3A_499, %dma_wait3A_500] : memref<2x4x200xi32, #tpu.memory_space<vmem>> -> memref<1x4x200xi32, #tpu.memory_space<vmem>>
        %dma_wait3A_502 = tpu.memref_squeeze %dma_wait3A_501 : memref<1x4x200xi32, #tpu.memory_space<vmem>> -> memref<4x200xi32, #tpu.memory_space<vmem>>
        %dma_wait3A_503 = arith.constant 0 : i32
        %dma_wait3A_504 = tpu.memref_slice %arg2[%add3A_389, %dma_wait3A_503] : memref<4096x200xi32, #tpu.memory_space<hbm>> -> memref<4x200xi32, #tpu.memory_space<hbm>>
        %dma_wait3A_505 = arith.constant 0 : i32
        %dma_wait3A_506 = arith.constant 0 : i32
        %dma_wait3A_507 = tpu.memref_slice %arg5[%run_scoped3A_390, %dma_wait3A_505, %dma_wait3A_506] : memref<2x4x200xi32, #tpu.memory_space<vmem>> -> memref<1x4x200xi32, #tpu.memory_space<vmem>>
        %dma_wait3A_508 = tpu.memref_squeeze %dma_wait3A_507 : memref<1x4x200xi32, #tpu.memory_space<vmem>> -> memref<4x200xi32, #tpu.memory_space<vmem>>
        %dma_wait3A_509 = arith.constant 0 : i32
        %dma_wait3A_510 = tpu.memref_slice %arg2[%add3A_389, %dma_wait3A_509] : memref<4096x200xi32, #tpu.memory_space<hbm>> -> memref<4x200xi32, #tpu.memory_space<hbm>>
        tpu.wait_dma2 semaphore(%run_scoped3A_486 : memref<!tpu.dma_semaphore, #tpu.memory_space<semaphore_mem>>) src(%dma_wait3A_510 : memref<4x200xi32, #tpu.memory_space<hbm>>) dst(%dma_wait3A_508 : memref<4x200xi32, #tpu.memory_space<vmem>>)
        tpu.yield
      }) : () -> ()
      %dma_start3A_391 = arith.constant 1 : i32
      %dma_start3A_392 = arith.constant 0 : i32
      %dma_start3A_393 = arith.constant 1 : i32
      %dma_start3A_394 = arith.constant 0 : i32
      %dma_start3A_395 = arith.constant 0 : i32
      %dma_start3A_396 = arith.constant 0 : i32
      %dma_start3A_397 = tpu.memref_slice %arg6[%dma_start3A_393, %dma_start3A_394, %dma_start3A_395, %dma_start3A_396] : memref<2x4x200x64xf32, #tpu.memory_space<vmem>> -> memref<1x1x200x64xf32, #tpu.memory_space<vmem>>
      %dma_start3A_398 = tpu.memref_squeeze %dma_start3A_397 : memref<1x1x200x64xf32, #tpu.memory_space<vmem>> -> memref<200x64xf32, #tpu.memory_space<vmem>>
      %dma_start3A_399 = arith.constant 0 : i32
      %dma_start3A_400 = tpu.memref_slice %arg5[%dma_start3A_391, %dma_start3A_392, %dma_start3A_399] : memref<2x4x200xi32, #tpu.memory_space<vmem>> -> memref<1x1x200xi32, #tpu.memory_space<vmem>>
      %dma_start3A_401 = tpu.memref_squeeze %dma_start3A_400 : memref<1x1x200xi32, #tpu.memory_space<vmem>> -> memref<200xi32, #tpu.memory_space<vmem>>
      %dma_start3A_402 = arith.constant 0 : i32
      %dma_start3A_403 = arith.constant 0 : i32
      %dma_start3A_404 = tpu.memref_slice %arg3[%dma_start3A_402, %dma_start3A_403] : memref<1000000x64xf32, #tpu.memory_space<hbm>> -> memref<1000000x64xf32, #tpu.memory_space<hbm>>
      tpu.enqueue_indirect_dma source(%dma_start3A_404 : memref<1000000x64xf32, #tpu.memory_space<hbm>>) target(%dma_start3A_398 : memref<200x64xf32, #tpu.memory_space<vmem>>) offsets(%dma_start3A_401 : memref<200xi32, #tpu.memory_space<vmem>>) semaphore(%arg7 : memref<!tpu.dma_semaphore, #tpu.memory_space<semaphore_mem>>)
      %dma_start3A_405 = arith.constant 1 : i32
      %dma_start3A_406 = arith.constant 1 : i32
      %dma_start3A_407 = arith.constant 1 : i32
      %dma_start3A_408 = arith.constant 1 : i32
      %dma_start3A_409 = arith.constant 0 : i32
      %dma_start3A_410 = arith.constant 0 : i32
      %dma_start3A_411 = tpu.memref_slice %arg6[%dma_start3A_407, %dma_start3A_408, %dma_start3A_409, %dma_start3A_410] : memref<2x4x200x64xf32, #tpu.memory_space<vmem>> -> memref<1x1x200x64xf32, #tpu.memory_space<vmem>>
      %dma_start3A_412 = tpu.memref_squeeze %dma_start3A_411 : memref<1x1x200x64xf32, #tpu.memory_space<vmem>> -> memref<200x64xf32, #tpu.memory_space<vmem>>
      %dma_start3A_413 = arith.constant 0 : i32
      %dma_start3A_414 = tpu.memref_slice %arg5[%dma_start3A_405, %dma_start3A_406, %dma_start3A_413] : memref<2x4x200xi32, #tpu.memory_space<vmem>> -> memref<1x1x200xi32, #tpu.memory_space<vmem>>
      %dma_start3A_415 = tpu.memref_squeeze %dma_start3A_414 : memref<1x1x200xi32, #tpu.memory_space<vmem>> -> memref<200xi32, #tpu.memory_space<vmem>>
      %dma_start3A_416 = arith.constant 0 : i32
      %dma_start3A_417 = arith.constant 0 : i32
      %dma_start3A_418 = tpu.memref_slice %arg3[%dma_start3A_416, %dma_start3A_417] : memref<1000000x64xf32, #tpu.memory_space<hbm>> -> memref<1000000x64xf32, #tpu.memory_space<hbm>>
      tpu.enqueue_indirect_dma source(%dma_start3A_418 : memref<1000000x64xf32, #tpu.memory_space<hbm>>) target(%dma_start3A_412 : memref<200x64xf32, #tpu.memory_space<vmem>>) offsets(%dma_start3A_415 : memref<200xi32, #tpu.memory_space<vmem>>) semaphore(%arg7 : memref<!tpu.dma_semaphore, #tpu.memory_space<semaphore_mem>>)
      %dma_start3A_419 = arith.constant 1 : i32
      %dma_start3A_420 = arith.constant 2 : i32
      %dma_start3A_421 = arith.constant 1 : i32
      %dma_start3A_422 = arith.constant 2 : i32
      %dma_start3A_423 = arith.constant 0 : i32
      %dma_start3A_424 = arith.constant 0 : i32
      %dma_start3A_425 = tpu.memref_slice %arg6[%dma_start3A_421, %dma_start3A_422, %dma_start3A_423, %dma_start3A_424] : memref<2x4x200x64xf32, #tpu.memory_space<vmem>> -> memref<1x1x200x64xf32, #tpu.memory_space<vmem>>
      %dma_start3A_426 = tpu.memref_squeeze %dma_start3A_425 : memref<1x1x200x64xf32, #tpu.memory_space<vmem>> -> memref<200x64xf32, #tpu.memory_space<vmem>>
      %dma_start3A_427 = arith.constant 0 : i32
      %dma_start3A_428 = tpu.memref_slice %arg5[%dma_start3A_419, %dma_start3A_420, %dma_start3A_427] : memref<2x4x200xi32, #tpu.memory_space<vmem>> -> memref<1x1x200xi32, #tpu.memory_space<vmem>>
      %dma_start3A_429 = tpu.memref_squeeze %dma_start3A_428 : memref<1x1x200xi32, #tpu.memory_space<vmem>> -> memref<200xi32, #tpu.memory_space<vmem>>
      %dma_start3A_430 = arith.constant 0 : i32
      %dma_start3A_431 = arith.constant 0 : i32
      %dma_start3A_432 = tpu.memref_slice %arg3[%dma_start3A_430, %dma_start3A_431] : memref<1000000x64xf32, #tpu.memory_space<hbm>> -> memref<1000000x64xf32, #tpu.memory_space<hbm>>
      tpu.enqueue_indirect_dma source(%dma_start3A_432 : memref<1000000x64xf32, #tpu.memory_space<hbm>>) target(%dma_start3A_426 : memref<200x64xf32, #tpu.memory_space<vmem>>) offsets(%dma_start3A_429 : memref<200xi32, #tpu.memory_space<vmem>>) semaphore(%arg7 : memref<!tpu.dma_semaphore, #tpu.memory_space<semaphore_mem>>)
      %dma_start3A_433 = arith.constant 1 : i32
      %dma_start3A_434 = arith.constant 3 : i32
      %dma_start3A_435 = arith.constant 1 : i32
      %dma_start3A_436 = arith.constant 3 : i32
      %dma_start3A_437 = arith.constant 0 : i32
      %dma_start3A_438 = arith.constant 0 : i32
      %dma_start3A_439 = tpu.memref_slice %arg6[%dma_start3A_435, %dma_start3A_436, %dma_start3A_437, %dma_start3A_438] : memref<2x4x200x64xf32, #tpu.memory_space<vmem>> -> memref<1x1x200x64xf32, #tpu.memory_space<vmem>>
      %dma_start3A_440 = tpu.memref_squeeze %dma_start3A_439 : memref<1x1x200x64xf32, #tpu.memory_space<vmem>> -> memref<200x64xf32, #tpu.memory_space<vmem>>
      %dma_start3A_441 = arith.constant 0 : i32
      %dma_start3A_442 = tpu.memref_slice %arg5[%dma_start3A_433, %dma_start3A_434, %dma_start3A_441] : memref<2x4x200xi32, #tpu.memory_space<vmem>> -> memref<1x1x200xi32, #tpu.memory_space<vmem>>
      %dma_start3A_443 = tpu.memref_squeeze %dma_start3A_442 : memref<1x1x200xi32, #tpu.memory_space<vmem>> -> memref<200xi32, #tpu.memory_space<vmem>>
      %dma_start3A_444 = arith.constant 0 : i32
      %dma_start3A_445 = arith.constant 0 : i32
      %dma_start3A_446 = tpu.memref_slice %arg3[%dma_start3A_444, %dma_start3A_445] : memref<1000000x64xf32, #tpu.memory_space<hbm>> -> memref<1000000x64xf32, #tpu.memory_space<hbm>>
      tpu.enqueue_indirect_dma source(%dma_start3A_446 : memref<1000000x64xf32, #tpu.memory_space<hbm>>) target(%dma_start3A_440 : memref<200x64xf32, #tpu.memory_space<vmem>>) offsets(%dma_start3A_443 : memref<200xi32, #tpu.memory_space<vmem>>) semaphore(%arg7 : memref<!tpu.dma_semaphore, #tpu.memory_space<semaphore_mem>>)
      %dma_wait3A_447 = arith.constant 0 : i32
      %dma_wait3A_448 = arith.constant 0 : i32
      %dma_wait3A_449 = arith.constant 0 : i32
      %dma_wait3A_450 = arith.constant 0 : i32
      %dma_wait3A_451 = tpu.memref_slice %arg6[%dma_wait3A_447, %dma_wait3A_448, %dma_wait3A_449, %dma_wait3A_450] : memref<2x4x200x64xf32, #tpu.memory_space<vmem>> -> memref<1x4x200x64xf32, #tpu.memory_space<vmem>>
      %dma_wait3A_452 = tpu.memref_squeeze %dma_wait3A_451 : memref<1x4x200x64xf32, #tpu.memory_space<vmem>> -> memref<4x200x64xf32, #tpu.memory_space<vmem>>
      %dma_wait3A_453 = arith.constant 0 : i32
      %dma_wait3A_454 = arith.constant 0 : i32
      %dma_wait3A_455 = arith.constant 0 : i32
      %dma_wait3A_456 = tpu.memref_slice %arg4[%dma_wait3A_453, %dma_wait3A_454, %dma_wait3A_455] : memref<4096x200x128xf32, #tpu.memory_space<hbm>> -> memref<4x200x64xf32, #tpu.memory_space<hbm>>
      %dma_wait3A_457 = arith.constant 0 : i32
      %dma_wait3A_458 = arith.constant 0 : i32
      %dma_wait3A_459 = arith.constant 0 : i32
      %dma_wait3A_460 = tpu.memref_slice %arg6[%dma_wait3A_447, %dma_wait3A_457, %dma_wait3A_458, %dma_wait3A_459] : memref<2x4x200x64xf32, #tpu.memory_space<vmem>> -> memref<1x4x200x64xf32, #tpu.memory_space<vmem>>
      %dma_wait3A_461 = tpu.memref_squeeze %dma_wait3A_460 : memref<1x4x200x64xf32, #tpu.memory_space<vmem>> -> memref<4x200x64xf32, #tpu.memory_space<vmem>>
      %dma_wait3A_462 = arith.constant 0 : i32
      %dma_wait3A_463 = arith.constant 0 : i32
      %dma_wait3A_464 = arith.constant 0 : i32
      %dma_wait3A_465 = tpu.memref_slice %arg4[%dma_wait3A_462, %dma_wait3A_463, %dma_wait3A_464] : memref<4096x200x128xf32, #tpu.memory_space<hbm>> -> memref<4x200x64xf32, #tpu.memory_space<hbm>>
      tpu.wait_dma2 semaphore(%arg7 : memref<!tpu.dma_semaphore, #tpu.memory_space<semaphore_mem>>) src(%dma_wait3A_465 : memref<4x200x64xf32, #tpu.memory_space<hbm>>) dst(%dma_wait3A_461 : memref<4x200x64xf32, #tpu.memory_space<vmem>>)
      %mul3A_466 = arith.constant 4 : i32
      %mul3A_467 = arith.muli %add3A_365, %mul3A_466 : i32
      %add3A_468 = arith.addi %mul3A_2, %mul3A_467 : i32
      %dma_start3A_469 = arith.constant 0 : i32
      %dma_start3A_470 = arith.constant 0 : i32
      %dma_start3A_471 = arith.constant 0 : i32
      %dma_start3A_472 = arith.constant 0 : i32
      %dma_start3A_473 = tpu.memref_slice %arg6[%dma_start3A_469, %dma_start3A_470, %dma_start3A_471, %dma_start3A_472] : memref<2x4x200x64xf32, #tpu.memory_space<vmem>> -> memref<1x4x200x64xf32, #tpu.memory_space<vmem>>
      %dma_start3A_474 = tpu.memref_squeeze %dma_start3A_473 : memref<1x4x200x64xf32, #tpu.memory_space<vmem>> -> memref<4x200x64xf32, #tpu.memory_space<vmem>>
      %dma_start3A_475 = arith.constant 0 : i32
      %dma_start3A_476 = arith.constant 0 : i32
      %dma_start3A_477 = tpu.memref_slice %arg4[%add3A_468, %dma_start3A_475, %dma_start3A_476] : memref<4096x200x128xf32, #tpu.memory_space<hbm>> -> memref<4x200x64xf32, #tpu.memory_space<hbm>>
      %dma_start3A_478 = arith.constant 0 : i32
      %dma_start3A_479 = arith.constant 0 : i32
      %dma_start3A_480 = tpu.memref_slice %arg4[%add3A_468, %dma_start3A_478, %dma_start3A_479] : memref<4096x200x128xf32, #tpu.memory_space<hbm>> -> memref<4x200x64xf32, #tpu.memory_space<hbm>>
      %dma_start3A_481 = arith.constant 0 : i32
      %dma_start3A_482 = arith.constant 0 : i32
      %dma_start3A_483 = arith.constant 0 : i32
      %dma_start3A_484 = tpu.memref_slice %arg6[%dma_start3A_469, %dma_start3A_481, %dma_start3A_482, %dma_start3A_483] : memref<2x4x200x64xf32, #tpu.memory_space<vmem>> -> memref<1x4x200x64xf32, #tpu.memory_space<vmem>>
      %dma_start3A_485 = tpu.memref_squeeze %dma_start3A_484 : memref<1x4x200x64xf32, #tpu.memory_space<vmem>> -> memref<4x200x64xf32, #tpu.memory_space<vmem>>
      tpu.enqueue_dma source(%dma_start3A_485 : memref<4x200x64xf32, #tpu.memory_space<vmem>>) target(%dma_start3A_480 : memref<4x200x64xf32, #tpu.memory_space<hbm>>) target_semaphore(%arg8 : memref<!tpu.dma_semaphore, #tpu.memory_space<semaphore_mem>>)
    }
    %scan3A_160 = arith.constant 15 : i32
    %dma_wait3A_161 = arith.constant 1 : i32
    %dma_wait3A_162 = arith.constant 0 : i32
    %dma_wait3A_163 = arith.constant 0 : i32
    %dma_wait3A_164 = arith.constant 0 : i32
    %dma_wait3A_165 = tpu.memref_slice %arg6[%dma_wait3A_161, %dma_wait3A_162, %dma_wait3A_163, %dma_wait3A_164] : memref<2x4x200x64xf32, #tpu.memory_space<vmem>> -> memref<1x4x200x64xf32, #tpu.memory_space<vmem>>
    %dma_wait3A_166 = tpu.memref_squeeze %dma_wait3A_165 : memref<1x4x200x64xf32, #tpu.memory_space<vmem>> -> memref<4x200x64xf32, #tpu.memory_space<vmem>>
    %dma_wait3A_167 = arith.constant 0 : i32
    %dma_wait3A_168 = arith.constant 0 : i32
    %dma_wait3A_169 = arith.constant 0 : i32
    %dma_wait3A_170 = tpu.memref_slice %arg4[%dma_wait3A_167, %dma_wait3A_168, %dma_wait3A_169] : memref<4096x200x128xf32, #tpu.memory_space<hbm>> -> memref<4x200x64xf32, #tpu.memory_space<hbm>>
    %dma_wait3A_171 = arith.constant 0 : i32
    %dma_wait3A_172 = arith.constant 0 : i32
    %dma_wait3A_173 = arith.constant 0 : i32
    %dma_wait3A_174 = tpu.memref_slice %arg6[%dma_wait3A_161, %dma_wait3A_171, %dma_wait3A_172, %dma_wait3A_173] : memref<2x4x200x64xf32, #tpu.memory_space<vmem>> -> memref<1x4x200x64xf32, #tpu.memory_space<vmem>>
    %dma_wait3A_175 = tpu.memref_squeeze %dma_wait3A_174 : memref<1x4x200x64xf32, #tpu.memory_space<vmem>> -> memref<4x200x64xf32, #tpu.memory_space<vmem>>
    %dma_wait3A_176 = arith.constant 0 : i32
    %dma_wait3A_177 = arith.constant 0 : i32
    %dma_wait3A_178 = arith.constant 0 : i32
    %dma_wait3A_179 = tpu.memref_slice %arg4[%dma_wait3A_176, %dma_wait3A_177, %dma_wait3A_178] : memref<4096x200x128xf32, #tpu.memory_space<hbm>> -> memref<4x200x64xf32, #tpu.memory_space<hbm>>
    tpu.wait_dma2 semaphore(%arg7 : memref<!tpu.dma_semaphore, #tpu.memory_space<semaphore_mem>>) src(%dma_wait3A_179 : memref<4x200x64xf32, #tpu.memory_space<hbm>>) dst(%dma_wait3A_175 : memref<4x200x64xf32, #tpu.memory_space<vmem>>)
    %add3A_180 = arith.constant 124 : i32
    %add3A_181 = arith.addi %mul3A_2, %add3A_180 : i32
    %dma_start3A_182 = arith.constant 1 : i32
    %dma_start3A_183 = arith.constant 0 : i32
    %dma_start3A_184 = arith.constant 0 : i32
    %dma_start3A_185 = arith.constant 0 : i32
    %dma_start3A_186 = tpu.memref_slice %arg6[%dma_start3A_182, %dma_start3A_183, %dma_start3A_184, %dma_start3A_185] : memref<2x4x200x64xf32, #tpu.memory_space<vmem>> -> memref<1x4x200x64xf32, #tpu.memory_space<vmem>>
    %dma_start3A_187 = tpu.memref_squeeze %dma_start3A_186 : memref<1x4x200x64xf32, #tpu.memory_space<vmem>> -> memref<4x200x64xf32, #tpu.memory_space<vmem>>
    %dma_start3A_188 = arith.constant 0 : i32
    %dma_start3A_189 = arith.constant 0 : i32
    %dma_start3A_190 = tpu.memref_slice %arg4[%add3A_181, %dma_start3A_188, %dma_start3A_189] : memref<4096x200x128xf32, #tpu.memory_space<hbm>> -> memref<4x200x64xf32, #tpu.memory_space<hbm>>
    %dma_start3A_191 = arith.constant 0 : i32
    %dma_start3A_192 = arith.constant 0 : i32
    %dma_start3A_193 = tpu.memref_slice %arg4[%add3A_181, %dma_start3A_191, %dma_start3A_192] : memref<4096x200x128xf32, #tpu.memory_space<hbm>> -> memref<4x200x64xf32, #tpu.memory_space<hbm>>
    %dma_start3A_194 = arith.constant 0 : i32
    %dma_start3A_195 = arith.constant 0 : i32
    %dma_start3A_196 = arith.constant 0 : i32
    %dma_start3A_197 = tpu.memref_slice %arg6[%dma_start3A_182, %dma_start3A_194, %dma_start3A_195, %dma_start3A_196] : memref<2x4x200x64xf32, #tpu.memory_space<vmem>> -> memref<1x4x200x64xf32, #tpu.memory_space<vmem>>
    %dma_start3A_198 = tpu.memref_squeeze %dma_start3A_197 : memref<1x4x200x64xf32, #tpu.memory_space<vmem>> -> memref<4x200x64xf32, #tpu.memory_space<vmem>>
    tpu.enqueue_dma source(%dma_start3A_198 : memref<4x200x64xf32, #tpu.memory_space<vmem>>) target(%dma_start3A_193 : memref<4x200x64xf32, #tpu.memory_space<hbm>>) target_semaphore(%arg8 : memref<!tpu.dma_semaphore, #tpu.memory_space<semaphore_mem>>)
    %dma_wait3A_199 = arith.constant 0 : i32
    %dma_wait3A_200 = arith.constant 0 : i32
    %dma_wait3A_201 = arith.constant 0 : i32
    %dma_wait3A_202 = arith.constant 0 : i32
    %dma_wait3A_203 = tpu.memref_slice %arg6[%dma_wait3A_199, %dma_wait3A_200, %dma_wait3A_201, %dma_wait3A_202] : memref<2x4x200x64xf32, #tpu.memory_space<vmem>> -> memref<1x4x200x64xf32, #tpu.memory_space<vmem>>
    %dma_wait3A_204 = tpu.memref_squeeze %dma_wait3A_203 : memref<1x4x200x64xf32, #tpu.memory_space<vmem>> -> memref<4x200x64xf32, #tpu.memory_space<vmem>>
    %dma_wait3A_205 = arith.constant 0 : i32
    %dma_wait3A_206 = arith.constant 0 : i32
    %dma_wait3A_207 = arith.constant 0 : i32
    %dma_wait3A_208 = tpu.memref_slice %arg4[%dma_wait3A_205, %dma_wait3A_206, %dma_wait3A_207] : memref<4096x200x128xf32, #tpu.memory_space<hbm>> -> memref<4x200x64xf32, #tpu.memory_space<hbm>>
    %dma_wait3A_209 = arith.constant 0 : i32
    %dma_wait3A_210 = arith.constant 0 : i32
    %dma_wait3A_211 = arith.constant 0 : i32
    %dma_wait3A_212 = tpu.memref_slice %arg4[%dma_wait3A_209, %dma_wait3A_210, %dma_wait3A_211] : memref<4096x200x128xf32, #tpu.memory_space<hbm>> -> memref<4x200x64xf32, #tpu.memory_space<hbm>>
    %dma_wait3A_213 = arith.constant 0 : i32
    %dma_wait3A_214 = arith.constant 0 : i32
    %dma_wait3A_215 = arith.constant 0 : i32
    %dma_wait3A_216 = tpu.memref_slice %arg6[%dma_wait3A_199, %dma_wait3A_213, %dma_wait3A_214, %dma_wait3A_215] : memref<2x4x200x64xf32, #tpu.memory_space<vmem>> -> memref<1x4x200x64xf32, #tpu.memory_space<vmem>>
    %dma_wait3A_217 = tpu.memref_squeeze %dma_wait3A_216 : memref<1x4x200x64xf32, #tpu.memory_space<vmem>> -> memref<4x200x64xf32, #tpu.memory_space<vmem>>
    tpu.wait_dma2 semaphore(%arg8 : memref<!tpu.dma_semaphore, #tpu.memory_space<semaphore_mem>>) src(%dma_wait3A_217 : memref<4x200x64xf32, #tpu.memory_space<vmem>>) dst(%dma_wait3A_212 : memref<4x200x64xf32, #tpu.memory_space<hbm>>)
    %dma_wait3A_218 = arith.constant 1 : i32
    %dma_wait3A_219 = arith.constant 0 : i32
    %dma_wait3A_220 = arith.constant 0 : i32
    %dma_wait3A_221 = arith.constant 0 : i32
    %dma_wait3A_222 = tpu.memref_slice %arg6[%dma_wait3A_218, %dma_wait3A_219, %dma_wait3A_220, %dma_wait3A_221] : memref<2x4x200x64xf32, #tpu.memory_space<vmem>> -> memref<1x4x200x64xf32, #tpu.memory_space<vmem>>
    %dma_wait3A_223 = tpu.memref_squeeze %dma_wait3A_222 : memref<1x4x200x64xf32, #tpu.memory_space<vmem>> -> memref<4x200x64xf32, #tpu.memory_space<vmem>>
    %dma_wait3A_224 = arith.constant 0 : i32
    %dma_wait3A_225 = arith.constant 0 : i32
    %dma_wait3A_226 = arith.constant 0 : i32
    %dma_wait3A_227 = tpu.memref_slice %arg4[%dma_wait3A_224, %dma_wait3A_225, %dma_wait3A_226] : memref<4096x200x128xf32, #tpu.memory_space<hbm>> -> memref<4x200x64xf32, #tpu.memory_space<hbm>>
    %dma_wait3A_228 = arith.constant 0 : i32
    %dma_wait3A_229 = arith.constant 0 : i32
    %dma_wait3A_230 = arith.constant 0 : i32
    %dma_wait3A_231 = tpu.memref_slice %arg4[%dma_wait3A_228, %dma_wait3A_229, %dma_wait3A_230] : memref<4096x200x128xf32, #tpu.memory_space<hbm>> -> memref<4x200x64xf32, #tpu.memory_space<hbm>>
    %dma_wait3A_232 = arith.constant 0 : i32
    %dma_wait3A_233 = arith.constant 0 : i32
    %dma_wait3A_234 = arith.constant 0 : i32
    %dma_wait3A_235 = tpu.memref_slice %arg6[%dma_wait3A_218, %dma_wait3A_232, %dma_wait3A_233, %dma_wait3A_234] : memref<2x4x200x64xf32, #tpu.memory_space<vmem>> -> memref<1x4x200x64xf32, #tpu.memory_space<vmem>>
    %dma_wait3A_236 = tpu.memref_squeeze %dma_wait3A_235 : memref<1x4x200x64xf32, #tpu.memory_space<vmem>> -> memref<4x200x64xf32, #tpu.memory_space<vmem>>
    tpu.wait_dma2 semaphore(%arg8 : memref<!tpu.dma_semaphore, #tpu.memory_space<semaphore_mem>>) src(%dma_wait3A_236 : memref<4x200x64xf32, #tpu.memory_space<vmem>>) dst(%dma_wait3A_231 : memref<4x200x64xf32, #tpu.memory_space<hbm>>)
    return
  }
}

</mosaic_0001>

<sc_bundles>
// kernel: kernel.3.cloned.1.call-start
scs
__scs_entry_jumppad:
0x0: {  	(pc) =	sbr.rel $0x88, $3  }
0x1: {  	(tag) =	ssettag $0x0;
	lr =	simm.s32 $0x1  }
0x2: {  	[smem:$0x3F9F] =	sst lr;
	_ =	strace $0xD0000000  }
0x3: {  	_ = 	snop  }
0x4: {  	_ = 	snop  }
0x5: {  	_ = 	snop  }
0x6: {  	_ = 	snop  }
0x7: {  	_ = 	snop  }
__scs_overlays_trampoline_lowered:
0x8: {  	[smem:$0x3FAE] =	sst s0  }
0x9: {  	[smem:$0x3FAF] =	sst s1  }
0xa: {  	[smem:$0x3FB0] =	sst s2  }
0xb: {  	[smem:$0x3FB1] =	sst s3  }
0xc: {  	[smem:$0x3FB2] =	sst s4  }
0xd: {  	[smem:$0x3FB3] =	sst s5  }
0xe: {  	[smem:$0x3FB4] =	sst s6  }
0xf: {  	[smem:$0x3FB5] =	sst s7  }
0x10: {  	[smem:$0x3FB6] =	sst s8  }
0x11: {  	[smem:$0x3FB7] =	sst s9;
	s0 =	simm.s32 @!p0 $0x0  }
0x12: {  	s1 =	sld [smem:$0x3F9D];
	s0 =	simm.s32 @p0 $0x1  }
0x13: {  	[smem:$0x3FB8] =	sst s0;
	s0 =	simm.s32 @!p1 $0x0  }
0x14: {  	s2 =	sld [smem:$0x3F9C];
	s0 =	simm.s32 @p1 $0x1  }
0x15: {  	[smem:$0x3FB9] =	sst s0;
	s0 =	simm.s32 @!p2 $0x0  }
0x16: {  	s3 =	sld [smem:$0x3FDB];
	s0 =	simm.s32 @p2 $0x1  }
0x17: {  	s4 =	simm.s32 $0x1BF5;
	[smem:$0x3FBB] =	sst s0  }
0x18: {  	s0 =	sld [smem:$0x3F9E];
	_ =	swait.ge [sflag:s4], $0x0  }
0x19: {  	s7 =	sld [smem:$0x3F9F]  }
0x1a: {  	s8 =	sadd.s32 $0xFFFFE003, lr  }
0x1b: {  	s9 =	sadd.s32 $0xFFFFFEF7, lr;
	s5 =	simm.s32 $0xFFFFFFFF;
	p2 =	slt.u32 s8, $0xFFFFF086  }
0x1c: {  	p1 =	slt.u32 s9, $0xF7A;
	s5 =	simm.s32 @!p2 $0x0  }
0x1d: {  	s5 =	simm.s32 @p1 $0x1;
	p0 =	seq.s32 s7, s2  }
0x1e: {  	s7 =	smul.u32 @!p0 $0xF7A, s2;
	p2 =	seq.s32 @!p0 s5, $0x0  }
0x1f: {  	s9 =	smul.u32 $0xF7A, s1;
	s8 =	simm.s32 @!p0 $0x1BF5;
	p2 =	por !p2, p0  }
0x20: {  	[sflag:s8] =	ssyncset.s32 @!p0 $0xFFFFF086;
	s6 =	sadd.s32 @!p0 s3, s7;
	s7 =	simm.s32 @!p0 $0x108  }
0x21: {  	s3 =	sadd.s32 s3, s9;
	s6 =	sadd.s32 @!p0 $0x88, s6;
	s7 =	simm.s32 @p2 $0x1082  }
0x22: {  	[simem:s7], [sflag:s8] =	dma.local @!p0 [hbm:s6], $0xF7A  }
0x23: {  	s9 =	sor.u32 $0xD0000000, s2;
	s6 =	simm.s32 $0x108;
	_ =	swait.ge @!p0 [sflag:s8], $0x0  }
0x24: {  	s3 =	sadd.s32 $0x88, s3;
	s6 =	simm.s32 @!p1 $0x1082;
	[sflag:s4] =	ssyncset.s32 $0xFFFFF086  }
0x25: {  	[simem:s6], [sflag:s4] =	dma.local [hbm:s3], $0xF7A  }
0x26: {  	[smem:$0x3F9F] =	sst s1;
	(tag) =	ssettag s2;
	_ =	strace s9  }
0x27: {  	s1 =	sld [smem:$0x3FAF]  }
0x28: {  	s2 =	sld [smem:$0x3FB0]  }
0x29: {  	s4 =	sld [smem:$0x3FB2]  }
0x2a: {  	p0 =	seq.s32 s5, $0x0;
	s5 =	sld [smem:$0x3FB3]  }
0x2b: {  	s6 =	sld [smem:$0x3FB4]  }
0x2c: {  	s7 =	sld [smem:$0x3FB5]  }
0x2d: {  	s3 =	simm.s32 $0x108;
	s8 =	sld [smem:$0x3FB6]  }
0x2e: {  	s3 =	simm.s32 @!p0 $0x1082;
	s9 =	sld [smem:$0x3FB7]  }
0x2f: {  	lr =	sadd.s32 s0, s3;
	s0 =	sld [smem:$0x3FAE]  }
0x30: {  	s3 =	sld [smem:$0x3FB1]  }
0x31: {  	[smem:$0x3FBA] =	sst s10  }
0x32: {  	s10 =	sld [smem:$0x3FB8];
	_ =	sdelay $0x3  }
0x33: {  	p0 =	seq.s32 s10, $0x1;
	s10 =	sld [smem:$0x3FBA];
	_ =	sdelay $0x3  }
0x34: {  	[smem:$0x3FBA] =	sst s10  }
0x35: {  	s10 =	sld [smem:$0x3FB9];
	_ =	sdelay $0x3  }
0x36: {  	p1 =	seq.s32 s10, $0x1;
	s10 =	sld [smem:$0x3FBA];
	_ =	sdelay $0x3  }
0x37: {  	[smem:$0x3FBA] =	sst s10  }
0x38: {  	s10 =	sld [smem:$0x3FBB]  }
0x39: {  	_ = 	snop;
	(pc) =	sbr.ind lr, $3  }
0x3a: {  	_ = 	snop  }
0x3b: {  	_ = 	snop  }
0x3c: {  	p2 =	seq.s32 s10, $0x1;
	s10 =	sld [smem:$0x3FBA]  }
0x3d: {  	_ =	shalt  }
0x3e: {  	_ =	shalt  }
0x3f: {  	_ =	shalt  }
0x40: {  	_ =	shalt  }
0x41: {  	_ =	shalt  }
0x42: {  	_ =	shalt  }
0x43: {  	_ =	shalt  }
0x44: {  	_ =	shalt  }
0x45: {  	_ =	shalt  }
0x46: {  	_ =	shalt  }
0x47: {  	_ =	shalt  }
0x48: {  	_ =	shalt  }
0x49: {  	_ =	shalt  }
0x4a: {  	_ =	shalt  }
0x4b: {  	_ =	shalt  }
0x4c: {  	_ =	shalt  }
0x4d: {  	_ =	shalt  }
0x4e: {  	_ =	shalt  }
0x4f: {  	_ =	shalt  }
0x50: {  	_ =	shalt  }
0x51: {  	_ =	shalt  }
0x52: {  	_ =	shalt  }
0x53: {  	_ =	shalt  }
0x54: {  	_ =	shalt  }
0x55: {  	_ =	shalt  }
0x56: {  	_ =	shalt  }
0x57: {  	_ =	shalt  }
0x58: {  	_ =	shalt  }
0x59: {  	_ =	shalt  }
0x5a: {  	_ =	shalt  }
0x5b: {  	_ =	shalt  }
0x5c: {  	_ =	shalt  }
0x5d: {  	_ =	shalt  }
0x5e: {  	_ =	shalt  }
0x5f: {  	_ =	shalt  }
0x60: {  	_ =	shalt  }
0x61: {  	_ =	shalt  }
0x62: {  	_ =	shalt  }
0x63: {  	_ =	shalt  }
0x64: {  	_ =	shalt  }
0x65: {  	_ =	shalt  }
0x66: {  	_ =	shalt  }
0x67: {  	_ =	shalt  }
0x68: {  	_ =	shalt  }
0x69: {  	_ =	shalt  }
0x6a: {  	_ =	shalt  }
0x6b: {  	_ =	shalt  }
0x6c: {  	_ =	shalt  }
0x6d: {  	_ =	shalt  }
0x6e: {  	_ =	shalt  }
0x6f: {  	_ =	shalt  }
0x70: {  	_ =	shalt  }
0x71: {  	_ =	shalt  }
0x72: {  	_ =	shalt  }
0x73: {  	_ =	shalt  }
0x74: {  	_ =	shalt  }
0x75: {  	_ =	shalt  }
0x76: {  	_ =	shalt  }
0x77: {  	_ =	shalt  }
0x78: {  	_ =	shalt  }
0x79: {  	_ =	shalt  }
0x7a: {  	_ =	shalt  }
0x7b: {  	_ =	shalt  }
0x7c: {  	_ =	shalt  }
0x7d: {  	_ =	shalt  }
0x7e: {  	_ =	shalt  }
0x7f: {  	_ =	shalt  }
0x80: {  	_ =	shalt  }
0x81: {  	_ =	shalt  }
0x82: {  	_ =	shalt  }
0x83: {  	_ =	shalt  }
0x84: {  	_ =	shalt  }
0x85: {  	_ =	shalt  }
0x86: {  	_ =	shalt  }
0x87: {  	_ =	shalt  }
.Lfunc_end0:
.L_simem_size_0:
called_computation.1_lowered:
.L_overlay_start_0:
0x88: {  	s2 =	sld [smem:$0x3FD9]  }
0x89: {  	s3 =	sld [smem:$0x3FFE];
	_ =	sdelay $0x1  }
0x8a: {  	s1 =	srdreg.scid  }
0x8b: {  	s0 =	sand.u32 $0x1, s1  }
0x8c: {  	s17 =	sshll.u32 s0, $0xA;
	s2 =	sadd.s32 s3, s2  }
0x8d: {  	s2 =	sadd.s32 s2, s17  }
0x8e: {  	[smem:$0x3FC6] =	sst s2  }
0x8f: {  	_ = 	snop  }
0x90: {  	s2 =	sld [smem:$0x3FD0];
	(tm) =	ssettm $0x1  }
0x91: {  	s18 =	sld [smem:$0x3FFB];
	_ =	sdelay $0x3  }
0x92: {  	_ =	strace s18  }
0x93: {  	s3 =	sld [smem:$0x3FFC];
	_ =	sdelay $0x3  }
0x94: {  	_ =	strace s3  }
0x95: {  	s3 =	sld [smem:$0x3FFD];
	_ =	sdelay $0x3  }
0x96: {  	_ =	strace s3  }
0x97: {  	_ =	strace $0x8FFFFFFF  }
0x98: {  	s19 =	sld [smem:$0x3FDB];
	_ =	sdelay $0x1  }
0x99: {  	s4 =	simm.s32 $_scs_section_size  }
0x9a: {  	s5 =	simm.s32 $_size__tile_overlayer_lowered;
	s6 =	simm.s32 $_tile_overlayer_lowered  }
0x9b: {  	s22 =	simm.s32 $0x1BFF;
	s21 =	sshll.u32 s6, $0x1;
	s3 =	sadd.s32 s4, s19  }
0x9c: {  	s7 =	simm.s32 $0x0;
	s20 =	sshll.u32 s5, $0x1;
	s5 =	sadd.s32 s21, s3  }
0x9d: {  	[timem:s7], [sflag:s22] =	dma.local [hbm:s5], s20  }
0x9e: {  	_ =	swait.ge [sflag:s22], s20  }
0x9f: {  	s4 =	ssub.s32 $0x0, s20;
	[sflag:s22] =	ssyncset.done $0x0  }
0xa0: {  	[sflag:s22] =	ssyncadd.s32 s4;
	_ =	sdelay $0x1  }
0xa1: {  	s23 =	simm.s32 $0x1B8B  }
0xa2: {  	_ =	swait.ge [sflag:s23], $0x1  }
0xa3: {  	[sflag:s23] =	ssyncset.done $0x0  }
0xa4: {  	s25 =	simm.s32 $0x1B8E;
	s24 =	sld [smem:$0x3FFE];
	[sflag:s23] =	ssyncadd.s32 $0xFFFFFFFF  }
0xa5: {  	s26 =	simm.s32 $execute0_lowered;
	[smem:$0x3FD2] =	sst s25  }
0xa6: {  	s5 =	sshll.u32 s26, $0x1;
	_ =	strace $0x80000046;
	[dreg:$0x1] =	wrdreg $0xFFFFFFFF  }
0xa7: {  	s28 =	simm.s32 $_size_execute0_lowered;
	s3 =	sadd.s32 s3, s5;
	[dreg:$0x0] =	wrdreg $0x0  }
0xa8: {  	s5 =	sshll.u32 s28, $0x1;
	[dreg:$0x2] =	wrdreg s3  }
0xa9: {  	[dreg:$0x3] =	wrdreg s5  }
0xaa: {  	[dreg:$0x4] =	wrdreg $0xC0  }
0xab: {  	_ =	task [dreg:s7], $0x5FFFF  }
0xac: {  	[dreg:$0x1] =	wrdreg $0xFFFFFFFF  }
0xad: {  	[dreg:$0x0] =	wrdreg $0x60  }
0xae: {  	[dreg:$0x2] =	wrdreg s2  }
0xaf: {  	[dreg:$0x3] =	wrdreg s24  }
0xb0: {  	[dreg:$0x4] =	wrdreg $0x9  }
0xb1: {  	_ =	task.clear_ibuf [dreg:s7], $0x5FFFF;
	_ =	strace $0x90000046  }
0xb2: {  	s29 =	simm.s32 $0x9;
	_ =	strace $0x80000048  }
0xb3: {  	_ =	swait.ge [sflag:s29], $0x1  }
0xb4: {  	[sflag:s29] =	ssyncadd.s32 $0xFFFFFFFF  }
0xb5: {  	_ =	strace $0x90000048  }
0xb6: {  	_ =	sfence  }
0xb7: {  	s30 =	sld [smem:$0x0];
	_ =	sdelay $0x2  }
0xb8: {  	s31 =	sshll.u32 s1, $0xD;
	s1 =	sshrl.u32 s1, $0x2  }
0xb9: {  	s3 =	sand.u32 $0x4000, s31;
	s1 =	sadd.s32 s1, s30  }
0xba: {  	s0 =	sor.u32 s3, s0;
	s1 =	sshll.u32 s1, $0x11  }
0xbb: {  	s0 =	sor.u32 s1, s0  }
0xbc: {  	s0 =	sadd.s32 $0x8F2B, s0  }
0xbd: {  	[sflag:s0] =	ssyncadd.remote.s32 $0x1  }
0xbe: {  	_ =	sfence.sel $0xFFFF  }
0xbf: {  	[dreg:$0x0] =	wrdreg $0xFFFFFFFF;
	(pc) =	sbr.abs _section_cstart, $3  }
0xc0: {  	[dreg:$0x1] =	wrdreg $0xFFFFFFFF  }
0xc1: {  	_ =	task.clear_ibuf [dreg:s7], $0x2FFFF;
	_ =	strace $0x9FFFFFFF  }
0xc2: {  	(tm) =	ssettm $0x7FFFFFFF  }
0xc3: {  	_ =	shalt  }
tec
execute0_lowered:
.L_overlay_start_1:
0x0: {  	(tag) =	ssettag $0x1  }
0x1: {  	s0 =	rddreg [dreg:$0x0]  }
0x2: {  	s1 =	rddreg [dreg:$0x1];
	s2 =	srdreg.scid  }
0x3: {  	s11 =	stileid.u32;
	s12 =	simm.s32 $0xC8;
	s13 =	simm.s32 $0x640  }
0x4: {  	s14 =	simm.s32 $0x3840;
	s15 =	simm.s32 $0x190;
	s16 =	simm.s32 $0x6A40  }
0x5: {  	s17 =	simm.s32 $0x258;
	s18 =	simm.s32 $0x9C40;
	s19 =	simm.s32 $0x320  }
0x6: {  	s28 =	simm.s32 $0x1;
	s29 =	simm.s32 $0x40;
	s30 =	simm.s32 $0x80  }
0x7: {  	s31 =	simm.s32 $0x2;
	s5 =	sand.u32 $0x1, s2;
	s21 =	smul.u32 $0x1900, s11  }
0x8: {  	s2 =	simm.s32 $0x0;
	s3 =	sshll.u32 s11, $0x8;
	s22 =	smul.u32 $0xC8000, s11  }
0x9: {  	s4 =	sshll.u32 s5, $0x7;
	[smem:$0x7FF] =	sst s2;
	s25 =	smul.u32 $0x64000, s5  }
0xa: {  	s8 =	ssub.s32 $0x2, s5;
	s5 =	smul.u32 $0xC80, s5;
	s4 =	sor.u32 s4, s3  }
0xb: {  	s11 =	simm.s32 $0x3;
	_ =	strace $0x80000047;
	s6 =	smul.u32 $0x19, s4  }
0xc: {  	s3 =	sadd.s32 $0xF42E00, s1;
	s10 =	sshrl.u32 s8, $0x1;
	s7 =	smul.u32 $0xC80, s4  }
0xd: {  	s1 =	sadd.s32 $0xA00, s1;
	s9 =	smul.u32 $0x6400, s4;
	s8 =	ssub.s32 s8, s10  }
0xe: {  	s8 =	smax.u32 s8, $0x1;
	s20 =	sadd.s32 s0, s6;
	s23 =	sadd.s32 s1, s7  }
0xf: {  	s24 =	sshrl.u32 s9, $0x3;
	s0 =	sadd.s32 s21, s0;
	[dreg:$0x3] =	wrdreg s20  }
0x10: {  	s21 =	simm.s32 $0x3E8;
	s4 =	sadd.s32 $0x64, s20;
	[dreg:$0x5] =	wrdreg s23  }
0x11: {  	s7 =	sadd.s32 s1, s24;
	s1 =	sadd.s32 s22, s1;
	s9 =	sadd.s32 s5, s0  }
0x12: {  	s20 =	simm.s32 $0xCE40;
	s22 =	simm.s32 $0x10040;
	s23 =	simm.s32 $0x4B0  }
0x13: {  	s24 =	simm.s32 $0x13240;
	s0 =	simm.s32 $0x0;
	[dreg:$0x4] =	wrdreg s4  }
0x14: {  	s26 =	sadd.s32 $0x60E00, s7;
	s1 =	sadd.s32 s25, s1;
	s25 =	simm.s32 $0x578  }
0x15: {  	[dreg:$0x6] =	wrdreg s26;
	s6 =	sadd.s32 $0x6400, s1;
	s26 =	simm.s32 $0x16440  }
.LBB2_1:
0x16: {  	s1 =	rddreg [dreg:$0x3]  }
0x17: {  	[tilespmem:s2], [sflag:$0x3] =	stream.linear.gather [hbm4b:s1+s2], $0x320, $0x38;
	[tilespmem:$0x19640] =	vst v63  }
0x18: {  	_ =	swait.ge [sflag:s11], $0x320  }
0x19: {  	[sflag:s11] =	ssyncset.done $0x0  }
0x1a: {  	[sflag:s11] =	ssyncadd.s32 $0xFFFFFCE0  }
0x1b: {  	[tilespmem:s13], [sflag:$0x1] =	stream.indirect.gather [hbm4b:s3+s12], $0x40, s2, s12, $0xb8;
	[tilespmem:$0x19640] =	vst v63  }
0x1c: {  	_ = 	snop  }
0x1d: {  	[tilespmem:s14], [sflag:$0x1] =	stream.indirect.gather [hbm4b:s3+s12], $0x40, s12, s12, $0xb8;
	[tilespmem:$0x19640] =	vst v63  }
0x1e: {  	_ = 	snop  }
0x1f: {  	[tilespmem:s16], [sflag:$0x1] =	stream.indirect.gather [hbm4b:s3+s12], $0x40, s15, s12, $0xb8;
	[tilespmem:$0x19640] =	vst v63  }
0x20: {  	_ = 	snop  }
0x21: {  	[tilespmem:s18], [sflag:$0x1] =	stream.indirect.gather [hbm4b:s3+s12], $0x40, s17, s12, $0xb8;
	[tilespmem:$0x19640] =	vst v63  }
0x22: {  	s4 =	rddreg [dreg:$0x4]  }
0x23: {  	[tilespmem:s19], [sflag:$0x3] =	stream.linear.gather [hbm4b:s4+s2], $0x320, $0x38;
	[tilespmem:$0x19640] =	vst v63  }
0x24: {  	_ =	swait.ge [sflag:s11], $0x320  }
0x25: {  	[sflag:s11] =	ssyncset.done $0x0  }
0x26: {  	[sflag:s11] =	ssyncadd.s32 $0xFFFFFCE0  }
0x27: {  	[tilespmem:s20], [sflag:$0x1] =	stream.indirect.gather [hbm4b:s3+s12], $0x40, s19, s12, $0xb8;
	[tilespmem:$0x19640] =	vst v63  }
0x28: {  	_ = 	snop  }
0x29: {  	[tilespmem:s22], [sflag:$0x1] =	stream.indirect.gather [hbm4b:s3+s12], $0x40, s21, s12, $0xb8;
	[tilespmem:$0x19640] =	vst v63  }
0x2a: {  	_ = 	snop  }
0x2b: {  	[tilespmem:s24], [sflag:$0x1] =	stream.indirect.gather [hbm4b:s3+s12], $0x40, s23, s12, $0xb8;
	[tilespmem:$0x19640] =	vst v63  }
0x2c: {  	_ = 	snop  }
0x2d: {  	[tilespmem:s26], [sflag:$0x1] =	stream.indirect.gather [hbm4b:s3+s12], $0x40, s25, s12, $0xb8;
	[tilespmem:$0x19640] =	vst v63  }
0x2e: {  	_ =	swait.ge [sflag:s28], $0xC800  }
0x2f: {  	[sflag:s28] =	ssyncset.done $0x0  }
0x30: {  	s5 =	rddreg [dreg:$0x5];
	[sflag:s28] =	ssyncadd.s32 $0xFFFF3800  }
0x31: {  	[hbm4b:s5+s29] =	stream.strided.scatter [tilespmem:s13], [sflag:$0x2], $0xC800, s30, s29, $0x38;
	[tilespmem:$0x19640] =	vst v63  }
0x32: {  	_ =	swait.ge [sflag:s31], $0xC800  }
0x33: {  	s7 =	sadd.s32 $0x0, s9;
	[sflag:s31] =	ssyncset.done $0x0  }
0x34: {  	s5 =	sadd.s32 $0xC8, s7;
	[sflag:s31] =	ssyncadd.s32 $0xFFFF3800  }
0x35: {  	[tilespmem:s2], [sflag:$0x3] =	stream.linear.gather [hbm4b:s5+s2], $0x320, $0x38;
	[tilespmem:$0x19640] =	vst v63  }
0x36: {  	_ =	swait.ge [sflag:s11], $0x320  }
0x37: {  	[sflag:s11] =	ssyncset.done $0x0  }
0x38: {  	[sflag:s11] =	ssyncadd.s32 $0xFFFFFCE0  }
0x39: {  	[tilespmem:s13], [sflag:$0x1] =	stream.indirect.gather [hbm4b:s3+s12], $0x40, s2, s12, $0xb8;
	[tilespmem:$0x19640] =	vst v63  }
0x3a: {  	_ = 	snop  }
0x3b: {  	[tilespmem:s14], [sflag:$0x1] =	stream.indirect.gather [hbm4b:s3+s12], $0x40, s12, s12, $0xb8;
	[tilespmem:$0x19640] =	vst v63  }
0x3c: {  	_ = 	snop  }
0x3d: {  	[tilespmem:s16], [sflag:$0x1] =	stream.indirect.gather [hbm4b:s3+s12], $0x40, s15, s12, $0xb8;
	[tilespmem:$0x19640] =	vst v63  }
0x3e: {  	_ = 	snop  }
0x3f: {  	[tilespmem:s18], [sflag:$0x1] =	stream.indirect.gather [hbm4b:s3+s12], $0x40, s17, s12, $0xb8;
	[tilespmem:$0x19640] =	vst v63  }
0x40: {  	_ =	swait.ge [sflag:s28], $0xC800  }
0x41: {  	[sflag:s28] =	ssyncset.done $0x0  }
0x42: {  	s10 =	sadd.s32 $0xFFFFCE00, s6;
	[sflag:s28] =	ssyncadd.s32 $0xFFFF3800  }
0x43: {  	[hbm4b:s10+s29] =	stream.strided.scatter [tilespmem:s20], [sflag:$0x2], $0xC800, s30, s29, $0x38;
	[tilespmem:$0x19640] =	vst v63  }
0x44: {  	_ =	swait.ge [sflag:s31], $0xC800  }
0x45: {  	[sflag:s31] =	ssyncset.done $0x0  }
0x46: {  	s1 =	sadd.s32 $0x12C, s7;
	[sflag:s31] =	ssyncadd.s32 $0xFFFF3800  }
0x47: {  	[tilespmem:s19], [sflag:$0x3] =	stream.linear.gather [hbm4b:s1+s2], $0x320, $0x38;
	[tilespmem:$0x19640] =	vst v63  }
0x48: {  	_ =	swait.ge [sflag:s11], $0x320  }
0x49: {  	[sflag:s11] =	ssyncset.done $0x0  }
0x4a: {  	[sflag:s11] =	ssyncadd.s32 $0xFFFFFCE0  }
0x4b: {  	[tilespmem:s20], [sflag:$0x1] =	stream.indirect.gather [hbm4b:s3+s12], $0x40, s19, s12, $0xb8;
	[tilespmem:$0x19640] =	vst v63  }
0x4c: {  	_ = 	snop  }
0x4d: {  	[tilespmem:s22], [sflag:$0x1] =	stream.indirect.gather [hbm4b:s3+s12], $0x40, s21, s12, $0xb8;
	[tilespmem:$0x19640] =	vst v63  }
0x4e: {  	_ = 	snop  }
0x4f: {  	[tilespmem:s24], [sflag:$0x1] =	stream.indirect.gather [hbm4b:s3+s12], $0x40, s23, s12, $0xb8;
	[tilespmem:$0x19640] =	vst v63  }
0x50: {  	_ = 	snop  }
0x51: {  	[tilespmem:s26], [sflag:$0x1] =	stream.indirect.gather [hbm4b:s3+s12], $0x40, s25, s12, $0xb8;
	[tilespmem:$0x19640] =	vst v63  }
0x52: {  	_ =	swait.ge [sflag:s28], $0xC800  }
0x53: {  	s5 =	sadd.s32 $0x6400, s6;
	[sflag:s28] =	ssyncset.done $0x0  }
0x54: {  	s10 =	smov.u32 s6;
	s1 =	simm.s32 $0xC8;
	[sflag:s28] =	ssyncadd.s32 $0xFFFF3800  }
.LBB2_2:
0x55: {  	[hbm4b:s10+s29] =	stream.strided.scatter [tilespmem:s13], [sflag:$0x2], $0xC800, s30, s29, $0x38;
	[tilespmem:$0x19640] =	vst v63  }
0x56: {  	s4 =	smov.u32 s1;
	s10 =	smov.u32 s5  }
0x57: {  	p0 =	sne.s32 s1, $0xAF0;
	s1 =	sadd.s32 $0xC8, s1;
	_ =	swait.ge [sflag:s31], $0xC800  }
0x58: {  	s4 =	sadd.s32 s4, s9;
	[sflag:s31] =	ssyncset.done $0x0  }
0x59: {  	s7 =	sadd.s32 $0xC8, s4;
	[sflag:s31] =	ssyncadd.s32 $0xFFFF3800  }
0x5a: {  	[tilespmem:s2], [sflag:$0x3] =	stream.linear.gather [hbm4b:s7+s2], $0x320, $0x38;
	[tilespmem:$0x19640] =	vst v63  }
0x5b: {  	_ =	swait.ge [sflag:s11], $0x320  }
0x5c: {  	[sflag:s11] =	ssyncset.done $0x0  }
0x5d: {  	[sflag:s11] =	ssyncadd.s32 $0xFFFFFCE0  }
0x5e: {  	[tilespmem:s13], [sflag:$0x1] =	stream.indirect.gather [hbm4b:s3+s12], $0x40, s2, s12, $0xb8;
	[tilespmem:$0x19640] =	vst v63  }
0x5f: {  	_ = 	snop  }
0x60: {  	[tilespmem:s14], [sflag:$0x1] =	stream.indirect.gather [hbm4b:s3+s12], $0x40, s12, s12, $0xb8;
	[tilespmem:$0x19640] =	vst v63  }
0x61: {  	_ = 	snop  }
0x62: {  	[tilespmem:s16], [sflag:$0x1] =	stream.indirect.gather [hbm4b:s3+s12], $0x40, s15, s12, $0xb8;
	[tilespmem:$0x19640] =	vst v63  }
0x63: {  	_ = 	snop  }
0x64: {  	[tilespmem:s18], [sflag:$0x1] =	stream.indirect.gather [hbm4b:s3+s12], $0x40, s17, s12, $0xb8;
	[tilespmem:$0x19640] =	vst v63  }
0x65: {  	_ =	swait.ge [sflag:s28], $0xC800  }
0x66: {  	[sflag:s28] =	ssyncset.done $0x0  }
0x67: {  	s7 =	sadd.s32 $0xFFFFCE00, s5;
	[sflag:s28] =	ssyncadd.s32 $0xFFFF3800  }
0x68: {  	[hbm4b:s7+s29] =	stream.strided.scatter [tilespmem:s20], [sflag:$0x2], $0xC800, s30, s29, $0x38;
	[tilespmem:$0x19640] =	vst v63  }
0x69: {  	_ =	swait.ge [sflag:s31], $0xC800  }
0x6a: {  	[sflag:s31] =	ssyncset.done $0x0  }
0x6b: {  	s4 =	sadd.s32 $0x12C, s4;
	[sflag:s31] =	ssyncadd.s32 $0xFFFF3800  }
0x6c: {  	[tilespmem:s19], [sflag:$0x3] =	stream.linear.gather [hbm4b:s4+s2], $0x320, $0x38;
	[tilespmem:$0x19640] =	vst v63  }
0x6d: {  	_ =	swait.ge [sflag:s11], $0x320  }
0x6e: {  	[sflag:s11] =	ssyncset.done $0x0  }
0x6f: {  	[sflag:s11] =	ssyncadd.s32 $0xFFFFFCE0  }
0x70: {  	[tilespmem:s20], [sflag:$0x1] =	stream.indirect.gather [hbm4b:s3+s12], $0x40, s19, s12, $0xb8;
	[tilespmem:$0x19640] =	vst v63  }
0x71: {  	_ = 	snop  }
0x72: {  	[tilespmem:s22], [sflag:$0x1] =	stream.indirect.gather [hbm4b:s3+s12], $0x40, s21, s12, $0xb8;
	[tilespmem:$0x19640] =	vst v63  }
0x73: {  	_ = 	snop  }
0x74: {  	[tilespmem:s24], [sflag:$0x1] =	stream.indirect.gather [hbm4b:s3+s12], $0x40, s23, s12, $0xb8;
	[tilespmem:$0x19640] =	vst v63  }
.Ltmp0:
0x75: {  	(pc) =	sbr.rel @p0 .LBB2_2-.Ltmp0, $4  }
0x76: {  	[tilespmem:s26], [sflag:$0x1] =	stream.indirect.gather [hbm4b:s3+s12], $0x40, s25, s12, $0xb8;
	[tilespmem:$0x19640] =	vst v63  }
0x77: {  	_ =	swait.ge [sflag:s28], $0xC800  }
0x78: {  	[sflag:s28] =	ssyncset.done $0x0  }
0x79: {  	s5 =	sadd.s32 $0x6400, s5;
	[sflag:s28] =	ssyncadd.s32 $0xFFFF3800  }
0x7a: {  	[hbm4b:s10+s29] =	stream.strided.scatter [tilespmem:s13], [sflag:$0x2], $0xC800, s30, s29, $0x38;
	[tilespmem:$0x19640] =	vst v63  }
0x7b: {  	_ =	swait.ge [sflag:s28], $0xC800  }
0x7c: {  	[sflag:s28] =	ssyncset.done $0x0  }
0x7d: {  	s0 =	sadd.s32 $0x1, s0;
	s1 =	rddreg [dreg:$0x6];
	[sflag:s28] =	ssyncadd.s32 $0xFFFF3800  }
0x7e: {  	[hbm4b:s1+s29] =	stream.strided.scatter [tilespmem:s20], [sflag:$0x2], $0xC800, s30, s29, $0x38;
	[tilespmem:$0x19640] =	vst v63  }
0x7f: {  	p0 =	sne.s32 s0, s8;
	_ =	swait.ge [sflag:s31], $0xC800  }
.Ltmp1:
0x80: {  	[sflag:s31] =	ssyncset.done $0x0;
	(pc) =	sbr.rel @p0 .LBB2_1-.Ltmp1, $4  }
0x81: {  	[sflag:s31] =	ssyncadd.s32 $0xFFFF3800  }
0x82: {  	_ =	swait.ge [sflag:s31], $0xC800  }
0x83: {  	[sflag:s31] =	ssyncset.done $0x0  }
0x84: {  	[sflag:s31] =	ssyncadd.s32 $0xFFFF3800  }
0x85: {  	_ =	sfence.sel $0x180000  }
0x86: {  	[bflag:$0x0] =	sbarrier.arrive $0xFFFF  }
0x87: {  	_ =	strace $0x90000047  }
0x88: {  	s0 =	stileid.u32;
	[bflag:$0x2] =	sbarrier.arrive $0xFFFF  }
0x89: {  	p0 =	sne.s32 s0, $0x0;
	s0 =	rddreg [dreg:$0x2]  }
0x8a: {  	s0 =	sadd.s32 @!p0 $0x100000, s0  }
0x8b: {  	[sflag:s0] =	ssyncadd.tile.s32 @!p0 $0x1;
	_ =	shalt  }
.Lfunc_end2:
_tile_overlayer_lowered:
.L_overlay_start_2:
0x8c: {  	(tag) =	ssettag $0x2  }
0x8d: {  	s0 =	rddreg [dreg:$0x0];
	s2 =	stileid.u32  }
0x8e: {  	s1 =	rddreg [dreg:$0x1];
	p0 =	sne.s32 s2, $0x0  }
0x8f: {  	s3 =	rddreg [dreg:$0x2];
	[bflag:$0x3] =	sbarrier.arrive $0xFFFF;
	s2 =	simm.s32 @!p0 $0x1C03  }
0x90: {  	[timem:s3], [sflag:s2] =	dma.local @!p0 [hbm:s0], s1  }
0x91: {  	s0 =	simm.s32 @!p0 $0x3  }
0x92: {  	_ =	swait.ge @!p0 [sflag:s0], s1  }
0x93: {  	s1 =	ssub.s32 @!p0 $0x0, s1;
	[sflag:s0] =	ssyncset.done @!p0 $0x0  }
0x94: {  	[sflag:s0] =	ssyncadd.s32 @!p0 s1  }
0x95: {  	[bflag:$0x3] =	sbarrier.arrive $0xFFFF  }
0x96: {  	_ =	shalt  }

// kernel: sparse-core-data-format-call.cloned.1.call-start
scs
called_computation_lowered:
.L_overlay_start_0:
0x0: {  	s2 =	sld [smem:$0x3FD9]  }
0x1: {  	s3 =	sld [smem:$0x3FFE];
	_ =	sdelay $0x1  }
0x2: {  	s1 =	srdreg.scid  }
0x3: {  	s0 =	sand.u32 $0x1, s1  }
0x4: {  	s18 =	sshll.u32 s0, $0xA;
	s2 =	sadd.s32 s3, s2  }
0x5: {  	s2 =	sadd.s32 s2, s18  }
0x6: {  	[smem:$0x3FC6] =	sst s2  }
0x7: {  	_ = 	snop  }
0x8: {  	s2 =	sld [smem:$0x3FD0];
	(tm) =	ssettm $0x1  }
0x9: {  	s19 =	sld [smem:$0x3FFB];
	_ =	sdelay $0x3  }
0xa: {  	_ =	strace s19  }
0xb: {  	s3 =	sld [smem:$0x3FFC];
	_ =	sdelay $0x3  }
0xc: {  	_ =	strace s3  }
0xd: {  	s3 =	sld [smem:$0x3FFD];
	_ =	sdelay $0x3  }
0xe: {  	_ =	strace s3  }
0xf: {  	_ =	strace $0x8FFFFFFF  }
0x10: {  	s20 =	sld [smem:$0x3FDB];
	_ =	sdelay $0x1  }
0x11: {  	s4 =	simm.s32 $_scs_section_size  }
0x12: {  	s5 =	simm.s32 $_size__tile_overlayer_lowered;
	s6 =	simm.s32 $_tile_overlayer_lowered  }
0x13: {  	s23 =	simm.s32 $0x1BFF;
	s22 =	sshll.u32 s6, $0x1;
	s3 =	sadd.s32 s4, s20  }
0x14: {  	s7 =	simm.s32 $0x0;
	s21 =	sshll.u32 s5, $0x1;
	s5 =	sadd.s32 s22, s3  }
0x15: {  	[timem:s7], [sflag:s23] =	dma.local [hbm:s5], s21  }
0x16: {  	_ =	swait.ge [sflag:s23], s21  }
0x17: {  	s4 =	ssub.s32 $0x0, s21;
	[sflag:s23] =	ssyncset.done $0x0  }
0x18: {  	[sflag:s23] =	ssyncadd.s32 s4;
	_ =	sdelay $0x1  }
0x19: {  	s24 =	simm.s32 $0x1B8B  }
0x1a: {  	_ =	swait.ge [sflag:s24], $0x1  }
0x1b: {  	[sflag:s24] =	ssyncset.done $0x0  }
0x1c: {  	s26 =	simm.s32 $0x1B8E;
	s25 =	sld [smem:$0x3FFE];
	[sflag:s24] =	ssyncadd.s32 $0xFFFFFFFF  }
0x1d: {  	s27 =	simm.s32 $execute0_lowered;
	[smem:$0x3FD2] =	sst s26  }
0x1e: {  	s5 =	sshll.u32 s27, $0x1;
	_ =	strace $0x80000049;
	[dreg:$0x1] =	wrdreg $0xFFFFFFFF  }
0x1f: {  	s28 =	simm.s32 $_size_execute0_lowered;
	s3 =	sadd.s32 s3, s5;
	[dreg:$0x0] =	wrdreg $0x0  }
0x20: {  	s5 =	sshll.u32 s28, $0x1;
	[dreg:$0x2] =	wrdreg s3  }
0x21: {  	[dreg:$0x3] =	wrdreg s5  }
0x22: {  	[dreg:$0x4] =	wrdreg $0xC0  }
0x23: {  	_ =	task [dreg:s7], $0x5FFFF  }
0x24: {  	[dreg:$0x1] =	wrdreg $0xFFFFFFFF  }
0x25: {  	[dreg:$0x0] =	wrdreg $0x60  }
0x26: {  	[dreg:$0x2] =	wrdreg s25  }
0x27: {  	[dreg:$0x3] =	wrdreg s2  }
0x28: {  	[dreg:$0x4] =	wrdreg $0x9  }
0x29: {  	_ =	task.clear_ibuf [dreg:s7], $0x5FFFF;
	_ =	strace $0x90000049  }
0x2a: {  	s29 =	simm.s32 $0x9;
	_ =	strace $0x8000004B  }
0x2b: {  	_ =	swait.ge [sflag:s29], $0x1  }
0x2c: {  	[sflag:s29] =	ssyncadd.s32 $0xFFFFFFFF  }
0x2d: {  	_ =	strace $0x9000004B  }
0x2e: {  	_ =	sfence  }
0x2f: {  	s30 =	sld [smem:$0x0];
	_ =	sdelay $0x2  }
0x30: {  	s31 =	sshll.u32 s1, $0xD;
	s1 =	sshrl.u32 s1, $0x2  }
0x31: {  	s3 =	sand.u32 $0x4000, s31;
	s1 =	sadd.s32 s1, s30  }
0x32: {  	s0 =	sor.u32 s3, s0;
	s1 =	sshll.u32 s1, $0x11  }
0x33: {  	s0 =	sor.u32 s1, s0  }
0x34: {  	s0 =	sadd.s32 $0x8F2B, s0  }
0x35: {  	[sflag:s0] =	ssyncadd.remote.s32 $0x1  }
0x36: {  	_ =	sfence.sel $0xFFFF  }
0x37: {  	[dreg:$0x0] =	wrdreg $0xFFFFFFFF;
	(pc) =	sbr.abs _section_cstart, $3  }
0x38: {  	[dreg:$0x1] =	wrdreg $0xFFFFFFFF  }
0x39: {  	_ =	task.clear_ibuf [dreg:s7], $0x2FFFF;
	_ =	strace $0x9FFFFFFF  }
0x3a: {  	(tm) =	ssettm $0x7FFFFFFF  }
0x3b: {  	_ =	shalt  }
tec
execute0_lowered:
.L_overlay_start_1:
0x0: {  	(tag) =	ssettag $0x1  }
0x1: {  	s0 =	srdreg.scid  }
0x2: {  	s1 =	sshll.u32 s0, $0x4  }
0x3: {  	s0 =	stileid.u32;
	s1 =	sand.u32 $0x10, s1  }
0x4: {  	s1 =	sor.u32 s0, s1  }
0x5: {  	s6 =	rddreg [dreg:$0x0];
	s4 =	simm.s32 $0x1;
	s2 =	sshll.u32 s1, $0x7  }
0x6: {  	s7 =	simm.s32 $0x2;
	s12 =	simm.s32 $0x0;
	s1 =	ssub.s32 $0x1000, s2  }
0x7: {  	s8 =	simm.s32 $0x8000;
	s13 =	simm.s32 $0x0;
	s3 =	sand.u32 $0xF80, s1  }
0x8: {  	s9 =	simm.s32 $0x0;
	s5 =	sshrl.u32 s1, $0xC;
	p0 =	sne.s32 s3, $0x0  }
.Ltmp0:
0x9: {  	s1 =	rddreg [dreg:$0x2];
	s4 =	simm.s32 @!p0 $0x0;
	(pc) =	sbr.rel .LBB1_1-.Ltmp0, $4  }
0xa: {  	s11 =	simm.s32 $0x0;
	s3 =	rddreg [dreg:$0x1];
	s5 =	sadd.s32 s4, s5  }
0xb: {  	_ =	strace $0x8000004A;
	s4 =	simm.s32 $0x1;
	s5 =	smul.u32 $0xC8, s5  }
0xc: {  	s6 =	sadd.s32 $0xA00, s6;
	s10 =	smov.u32 s2;
	[sflag:s4] =	ssyncpa.u1 $0x0  }
0xd: {  	p0 =	por $0x0, $0x0;
	[sflag:s7] =	ssyncpa.u1 $0x0;
	s7 =	sor.u32 $0x1, s5  }
.LBB1_4:
0xe: {  	s16 =	sshll.u32 s13, $0x3;
	s17 =	sand.u32 $0x78, s13  }
0xf: {  	s30 =	sand.u32 $0x7E00, s13;
	s12 =	sshll.u32 s12, $0xF;
	s16 =	sand.u32 $0xC00, s16  }
0x10: {  	[tilespmem:s15+$0x810 ss:$0x81] =	vst.msk $0xffff, v2;
	s31 =	sand.u32 $0x7, s13;
	s16 =	sor.u32 s17, s16;
	s17 =	sadd.s32 s3, s30  }
0x11: {  	[tilespmem:s15+$0x1020 ss:$0x81] =	vst.msk $0xffff, v0;
	s13 =	sshll.u32 s31, $0x12;
	s12 =	sadd.s32 s12, s17;
	s16 =	sshrl.u32 s16, $0x3  }
0x12: {  	[tilespmem:s15+$0x0 ss:$0x81] =	vst.msk $0xffff, v1;
	s13 =	sor.u32 $0x400, s13;
	s12 =	sadd.s32 s16, s12  }
0x13: {  	[hbm4b:s12+s13] =	stream.strided.scatter [tilespmem:s14], [sflag:$0x2], $0x2000, s8, s13, $0x20;
	[tilespmem:$0x8080] =	vst v63  }
.LBB1_5:
0x14: {  	s14 =	sadd.s32 $0x1, s9  }
0x15: {  	s12 =	sadd.s32 $0x1000, s10;
	s16 =	smov.u32 s10;
	p2 =	sgt.s32 s14, $0xC7  }
0x16: {  	s16 =	smov.u32 @p2 s12  }
0x17: {  	s14 =	simm.s32 @p2 $0x0;
	p2 =	sgt.s32 s16, $0xFFF  }
0x18: {  	s16 =	smov.u32 @p2 s2;
	p2 =	sne.s32 s11, s7  }
.Ltmp1:
0x19: {  	p1 =	slt.u32 s11, $0x2;
	(pc) =	sbr.rel @!p2 .LBB1_6-.Ltmp1, $4  }
0x1a: {  	s15 =	simm.s32 @!p1 $0x2  }
0x1b: {  	s13 =	smov.u32 s10;
	p0 =	por !p0, !p0;
	_ =	swait.ge @!p1 [sflag:s15], $0x2000  }
0x1c: {  	s12 =	smov.u32 s9;
	[sflag:s15] =	ssyncset.done @!p1 $0x0;
	s9 =	smov.u32 s14  }
0x1d: {  	s11 =	sadd.s32 $0x1, s11;
	[sflag:s15] =	ssyncadd.s32 @!p1 $0xFFFFE000;
	s10 =	smov.u32 s16  }
.LBB1_1:
0x1e: {  	p1 =	sge.u32 s11, s5  }
0x1f: {  	s14 =	sand.u32 @!p1 $0x1FFFFFF, s9  }
0x20: {  	s15 =	smulhi.u32 @!p1 $0x147AE15, s14;
	_ =	sdelay $0x1  }
0x21: {  	s15 =	smul.u32 @!p1 $0xC8, s15  }
0x22: {  	s16 =	sxor.u32 @!p1 $0xFFFFFFFF, s11;
	s17 =	smul.u32 @!p1 $0xC80, s10  }
0x23: {  	s31 =	sadd.s32 $0xFFFFFFFF, s11;
	s16 =	sshll.u32 @!p1 s16, $0xD;
	s14 =	ssub.s32 @!p1 s14, s15  }
0x24: {  	s15 =	sand.u32 @!p1 $0x2000, s16;
	s16 =	sadd.s32 @!p1 s6, s17;
	s14 =	sshll.u32 @!p1 s14, $0x4  }
0x25: {  	s17 =	simm.s32 @!p1 $0x6400;
	s14 =	sadd.s32 @!p1 s14, s16;
	s16 =	simm.s32 @!p1 $0x40  }
0x26: {  	[tilespmem:s15], [sflag:$0x1] =	stream.strided.gather @!p1 [hbm4b:s14+s16], $0x2000, s17, s16, $0x38;
	[tilespmem:$0x8080] =	vst v63  }
0x27: {  	p1 =	sge.u32 s31, s5  }
.Ltmp2:
0x28: {  	_ = 	snop;
	(pc) =	sbr.rel @p1 .LBB1_5-.Ltmp2, $1  }
0x29: {  	_ =	sdelay $0x3  }
0x2a: {  	s14 =	simm.s32 $0x1  }
0x2b: {  	_ =	swait.ge [sflag:s4], $0x2000;
	s14 =	simm.s32 @!p0 $0x0  }
0x2c: {  	[sflag:s4] =	ssyncset.done $0x0;
	s15 =	sshll.u32 s14, $0xD  }
0x2d: {  	[sflag:s4] =	ssyncadd.s32 $0xFFFFE000;
	s18 =	sor.u32 $0x20, s15  }
0x2e: {  	s14 =	smul.u32 $0x8100, s14;
	v3 =	vld [tilespmem:s18+$0x10]  }
0x2f: {  	s30 =	sand.u32 $0x1, s11;
	v2 =	vld [tilespmem:s18+$0xFFFFFFF0]  }
0x30: {  	s15 =	smul.u32 $0x8100, s30;
	s14 =	sshrl.u32 s14, $0x2;
	v0 =	vld [tilespmem:s18+$0x0]  }
0x31: {  	v1 =	vld [tilespmem:s18+$0xFFFFFFE0];
	s16 =	sor.u32 $0x4000, s14  }
0x32: {  	s31 =	sshrl.u32 s15, $0x2;
	s15 =	sadd.s32 $0x0, s16  }
0x33: {  	s17 =	simm.s32 $0x4;
	s18 =	sadd.s32 $0x40, s18;
	s14 =	sor.u32 $0x4000, s31;
	[tilespmem:s15+$0x1830 ss:$0x81] =	vst.msk $0xffff, v3  }
.LBB1_3:
0x34: {  	v3 =	vld [tilespmem:s18+$0x10];
	p1 =	sne.s32 s17, $0x1FC;
	[tilespmem:s15+$0x810 ss:$0x81] =	vst.msk $0xffff, v2;
	s19 =	smov.u32 s17;
	s17 =	sadd.s32 $0x4, s17  }
.Ltmp3:
0x35: {  	v2 =	vld [tilespmem:s18+$0xFFFFFFF0];
	[tilespmem:s15+$0x1020 ss:$0x81] =	vst.msk $0xffff, v0;
	(pc) =	sbr.rel @p1 .LBB1_3-.Ltmp3, $4  }
0x36: {  	v0 =	vld [tilespmem:s18+$0x0];
	[tilespmem:s15+$0x0 ss:$0x81] =	vst.msk $0xffff, v1  }
0x37: {  	s15 =	sshra.s32 s19, $0x2;
	v1 =	vld [tilespmem:s18+$0xFFFFFFE0]  }
0x38: {  	s15 =	sadd.s32 s15, s16  }
0x39: {  	s18 =	sadd.s32 $0x40, s18;
	[tilespmem:s15+$0x1830 ss:$0x81] =	vst.msk $0xffff, v3  }
.Ltmp4:
0x3a: {  	_ = 	snop;
	(pc) =	sbr.rel .LBB1_4-.Ltmp4, $1  }
0x3b: {  	_ =	sdelay $0x3  }
.LBB1_6:
0x3c: {  	_ =	sfence.sel $0x180000  }
0x3d: {  	s2 =	simm.s32 $0x1;
	[bflag:$0x0] =	sbarrier.arrive $0xFFFF  }
0x3e: {  	s31 =	simm.s32 $0x2;
	[sflag:s2] =	ssyncpa.u1 $0x1  }
0x3f: {  	[sflag:s31] =	ssyncpa.u1 $0x1  }
0x40: {  	p0 =	sne.s32 s0, $0x0;
	_ =	strace $0x9000004A  }
0x41: {  	s0 =	sadd.s32 @!p0 $0x100000, s1;
	[bflag:$0x2] =	sbarrier.arrive $0xFFFF  }
0x42: {  	[sflag:s0] =	ssyncadd.tile.s32 @!p0 $0x1;
	_ =	shalt  }
.Lfunc_end1:
_tile_overlayer_lowered:
.L_overlay_start_2:
0x43: {  	(tag) =	ssettag $0x2  }
0x44: {  	s0 =	rddreg [dreg:$0x0];
	s2 =	stileid.u32  }
0x45: {  	s1 =	rddreg [dreg:$0x1];
	p0 =	sne.s32 s2, $0x0  }
0x46: {  	s3 =	rddreg [dreg:$0x2];
	[bflag:$0x3] =	sbarrier.arrive $0xFFFF;
	s2 =	simm.s32 @!p0 $0x1C01  }
0x47: {  	[timem:s3], [sflag:s2] =	dma.local @!p0 [hbm:s0], s1  }
0x48: {  	s0 =	simm.s32 @!p0 $0x1  }
0x49: {  	_ =	swait.ge @!p0 [sflag:s0], s1  }
0x4a: {  	s1 =	ssub.s32 @!p0 $0x0, s1;
	[sflag:s0] =	ssyncset.done @!p0 $0x0  }
0x4b: {  	[sflag:s0] =	ssyncadd.s32 @!p0 s1  }
0x4c: {  	[bflag:$0x3] =	sbarrier.arrive $0xFFFF  }
0x4d: {  	_ =	shalt  }

</sc_bundles>
